<compile_context>
chip_gen: v7x
topology: tpu7x:2x2x1
jax: 0.10.2.dev20260603
libtpu: 0.0.44.dev20260713+nightly
codegen_flags: <defaults>
</compile_context>

<pallas_src>
import functools

import jax
import jax.numpy as jnp
from jax import lax
from jax.experimental import pallas as pl
from jax.experimental.pallas import tpu as pltpu
from jax.experimental.pallas import tpu_sc as plsc

_BATCH = 16384
_FIELDS = 100
_LANES = 16
_NUM_WORKERS = 32
_COLS_W = _BATCH // _NUM_WORKERS
_SEG = 128
_NSEG = _COLS_W // _SEG
_UNROLL = _SEG // _LANES

_mesh = plsc.VectorSubcoreMesh(core_axis_name="c", subcore_axis_name="s")


@functools.partial(
    pl.kernel,
    mesh=_mesh,
    out_type=jax.ShapeDtypeStruct((_NUM_WORKERS, _LANES), jnp.float32),
    compiler_params=pltpu.CompilerParams(use_tc_tiling_on_sc=True),
    scratch_types=[
        pltpu.VMEM((_FIELDS, _NSEG, _SEG), jnp.int32),
        pltpu.VMEM((_FIELDS, _NSEG, _SEG), jnp.float32),
        pltpu.VMEM((_LANES,), jnp.float32),
    ] + [pltpu.SemaphoreType.DMA] * (2 * _NSEG),
)
def _gather_sum(idx_hbm, w_hbm, out_hbm, idx_v, vals_v, acc_v, *sems):
    ssems = sems[:_NSEG]
    gsems = sems[_NSEG:]
    nc = plsc.get_sparse_core_info().num_cores
    wid = lax.axis_index("s") * nc + lax.axis_index("c")
    col0 = wid * _COLS_W

    stage_h = [
        pltpu.async_copy(
            idx_hbm.at[:, pl.ds(col0 + k * _SEG, _SEG)], idx_v.at[:, k, :],
            ssems[k])
        for k in range(_NSEG)
    ]

    for k in range(_NSEG):
        stage_h[k].wait()

        def issue(r, carry):
            pltpu.async_copy(
                w_hbm.at[idx_v.at[r, k]], vals_v.at[r, k], gsems[k])
            return carry

        lax.fori_loop(0, _FIELDS, issue, 0)

    zeros = jnp.zeros((_LANES,), jnp.float32)
    accs = (zeros,) * _UNROLL
    for k in range(_NSEG):

        def drain(r, carry):
            pltpu.make_async_copy(
                w_hbm.at[idx_v.at[r, k]], vals_v.at[r, k], gsems[k]).wait()
            return carry

        lax.fori_loop(0, _FIELDS, drain, 0)

        def body(r, a):
            return tuple(
                a[j] + vals_v[r, k, pl.ds(j * _LANES, _LANES)]
                for j in range(_UNROLL)
            )

        accs = lax.fori_loop(0, _FIELDS, body, accs)
    total = accs[0]
    for j in range(1, _UNROLL):
        total = total + accs[j]
    acc_v[...] = total
    pltpu.sync_copy(acc_v, out_hbm.at[wid])


def kernel(non_zero_indices, weights):
    partials = _gather_sum(non_zero_indices.T, weights)
    return jnp.sum(partials)

# --- scband reference (transcript-rebuilt; emitter-appended) ---
"""Pipeline reference for scband-eval-model-77146202570959 (READ-ONLY COPY).

The authoritative reference and input builder live on the scoring server;
editing this copy changes nothing except your own understanding.
"""

import jax, jax.numpy as jnp
import numpy as np

VOCAB = 1000000
BATCH = 16384
FIELDS = 100

def setup_inputs(seed: int = 0) -> dict:
    key = jax.random.key(seed)
    k_idx, k_w = jax.random.split(key)
    non_zero_indices = jax.random.randint(k_idx, (BATCH, FIELDS), 0, VOCAB, dtype=jnp.int64)
    weights = jax.random.normal(k_w, (VOCAB,), dtype=jnp.float32)
    return {"non_zero_indices": non_zero_indices, "weights": weights}

def reference(non_zero_indices, weights):
    # Faithful translation of: torch.sum(self.weights[non_zero_indices])
    gathered = jnp.take(weights, non_zero_indices, axis=0)
    return jnp.sum(gathered)

if __name__ == "__main__":
    import jax
    _d = setup_inputs()
    print(jax.jit(kernel)(*tuple(_d.values())))

</pallas_src>

<mosaic_0001>
#map = affine_map<(d0, d1) -> (0, 0)>
#map1 = affine_map<(d0, d1) -> (0)>
module attributes {stable_mosaic.version = 14 : i64} {
  func.func @_gather_sum(%arg0: i32, %arg1: i32, %arg2: memref<100x16384xi32, #tpu.memory_space<hbm>>, %arg3: memref<1000000xf32, #tpu.memory_space<hbm>>, %arg4: memref<32x16xf32, #tpu.memory_space<hbm>>, %arg5: memref<100x4x128xi32, #tpu.memory_space<vmem>>, %arg6: memref<100x4x128xf32, #tpu.memory_space<vmem>>, %arg7: memref<16xf32, #tpu.memory_space<vmem>>, %arg8: memref<!tpu.dma_semaphore, #tpu.memory_space<semaphore_mem>>, %arg9: memref<!tpu.dma_semaphore, #tpu.memory_space<semaphore_mem>>, %arg10: memref<!tpu.dma_semaphore, #tpu.memory_space<semaphore_mem>>, %arg11: memref<!tpu.dma_semaphore, #tpu.memory_space<semaphore_mem>>, %arg12: memref<!tpu.dma_semaphore, #tpu.memory_space<semaphore_mem>>, %arg13: memref<!tpu.dma_semaphore, #tpu.memory_space<semaphore_mem>>, %arg14: memref<!tpu.dma_semaphore, #tpu.memory_space<semaphore_mem>>, %arg15: memref<!tpu.dma_semaphore, #tpu.memory_space<semaphore_mem>>) attributes {dimension_semantics = [#tpu.dimension_semantics<core_parallel>, #tpu.dimension_semantics<subcore_parallel>], iteration_bounds = array<i64: 2, 16>, scalar_prefetch = 0 : i64, scratch_operands = 11 : i64, tpu.core_type = #tpu.core_type<sc_vector_subcore>, window_params = [{transform_indices = #map}, {transform_indices = #map1}, {transform_indices = #map}]} {
    %mul3A = arith.constant 2 : i32
    %mul3A_0 = arith.muli %arg1, %mul3A : i32
    %add3A = arith.addi %mul3A_0, %arg0 : i32
    %mul3A_1 = arith.constant 512 : i32
    %mul3A_2 = arith.muli %add3A, %mul3A_1 : i32
    %add3A_3 = arith.constant 0 : i32
    %add3A_4 = arith.addi %mul3A_2, %add3A_3 : i32
    %dma_start3A = arith.constant 0 : i32
    %dma_start3A_5 = arith.constant 0 : i32
    %dma_start3A_6 = arith.constant 0 : i32
    %dma_start3A_7 = tpu.memref_slice %arg5[%dma_start3A_5, %dma_start3A, %dma_start3A_6] : memref<100x4x128xi32, #tpu.memory_space<vmem>> -> memref<100x1x128xi32, #tpu.memory_space<vmem>>
    %dma_start3A_8 = tpu.memref_squeeze %dma_start3A_7 : memref<100x1x128xi32, #tpu.memory_space<vmem>> -> memref<100x128xi32, #tpu.memory_space<vmem>>
    %dma_start3A_9 = arith.constant 0 : i32
    %dma_start3A_10 = tpu.memref_slice %arg2[%dma_start3A_9, %add3A_4] : memref<100x16384xi32, #tpu.memory_space<hbm>> -> memref<100x128xi32, #tpu.memory_space<hbm>>
    %dma_start3A_11 = arith.constant 0 : i32
    %dma_start3A_12 = arith.constant 0 : i32
    %dma_start3A_13 = tpu.memref_slice %arg5[%dma_start3A_11, %dma_start3A, %dma_start3A_12] : memref<100x4x128xi32, #tpu.memory_space<vmem>> -> memref<100x1x128xi32, #tpu.memory_space<vmem>>
    %dma_start3A_14 = tpu.memref_squeeze %dma_start3A_13 : memref<100x1x128xi32, #tpu.memory_space<vmem>> -> memref<100x128xi32, #tpu.memory_space<vmem>>
    %dma_start3A_15 = arith.constant 0 : i32
    %dma_start3A_16 = tpu.memref_slice %arg2[%dma_start3A_15, %add3A_4] : memref<100x16384xi32, #tpu.memory_space<hbm>> -> memref<100x128xi32, #tpu.memory_space<hbm>>
    tpu.enqueue_dma source(%dma_start3A_16 : memref<100x128xi32, #tpu.memory_space<hbm>>) target(%dma_start3A_14 : memref<100x128xi32, #tpu.memory_space<vmem>>) target_semaphore(%arg8 : memref<!tpu.dma_semaphore, #tpu.memory_space<semaphore_mem>>)
    %add3A_17 = arith.constant 128 : i32
    %add3A_18 = arith.addi %mul3A_2, %add3A_17 : i32
    %dma_start3A_19 = arith.constant 1 : i32
    %dma_start3A_20 = arith.constant 0 : i32
    %dma_start3A_21 = arith.constant 0 : i32
    %dma_start3A_22 = tpu.memref_slice %arg5[%dma_start3A_20, %dma_start3A_19, %dma_start3A_21] : memref<100x4x128xi32, #tpu.memory_space<vmem>> -> memref<100x1x128xi32, #tpu.memory_space<vmem>>
    %dma_start3A_23 = tpu.memref_squeeze %dma_start3A_22 : memref<100x1x128xi32, #tpu.memory_space<vmem>> -> memref<100x128xi32, #tpu.memory_space<vmem>>
    %dma_start3A_24 = arith.constant 0 : i32
    %dma_start3A_25 = tpu.memref_slice %arg2[%dma_start3A_24, %add3A_18] : memref<100x16384xi32, #tpu.memory_space<hbm>> -> memref<100x128xi32, #tpu.memory_space<hbm>>
    %dma_start3A_26 = arith.constant 0 : i32
    %dma_start3A_27 = arith.constant 0 : i32
    %dma_start3A_28 = tpu.memref_slice %arg5[%dma_start3A_26, %dma_start3A_19, %dma_start3A_27] : memref<100x4x128xi32, #tpu.memory_space<vmem>> -> memref<100x1x128xi32, #tpu.memory_space<vmem>>
    %dma_start3A_29 = tpu.memref_squeeze %dma_start3A_28 : memref<100x1x128xi32, #tpu.memory_space<vmem>> -> memref<100x128xi32, #tpu.memory_space<vmem>>
    %dma_start3A_30 = arith.constant 0 : i32
    %dma_start3A_31 = tpu.memref_slice %arg2[%dma_start3A_30, %add3A_18] : memref<100x16384xi32, #tpu.memory_space<hbm>> -> memref<100x128xi32, #tpu.memory_space<hbm>>
    tpu.enqueue_dma source(%dma_start3A_31 : memref<100x128xi32, #tpu.memory_space<hbm>>) target(%dma_start3A_29 : memref<100x128xi32, #tpu.memory_space<vmem>>) target_semaphore(%arg9 : memref<!tpu.dma_semaphore, #tpu.memory_space<semaphore_mem>>)
    %add3A_32 = arith.constant 256 : i32
    %add3A_33 = arith.addi %mul3A_2, %add3A_32 : i32
    %dma_start3A_34 = arith.constant 2 : i32
    %dma_start3A_35 = arith.constant 0 : i32
    %dma_start3A_36 = arith.constant 0 : i32
    %dma_start3A_37 = tpu.memref_slice %arg5[%dma_start3A_35, %dma_start3A_34, %dma_start3A_36] : memref<100x4x128xi32, #tpu.memory_space<vmem>> -> memref<100x1x128xi32, #tpu.memory_space<vmem>>
    %dma_start3A_38 = tpu.memref_squeeze %dma_start3A_37 : memref<100x1x128xi32, #tpu.memory_space<vmem>> -> memref<100x128xi32, #tpu.memory_space<vmem>>
    %dma_start3A_39 = arith.constant 0 : i32
    %dma_start3A_40 = tpu.memref_slice %arg2[%dma_start3A_39, %add3A_33] : memref<100x16384xi32, #tpu.memory_space<hbm>> -> memref<100x128xi32, #tpu.memory_space<hbm>>
    %dma_start3A_41 = arith.constant 0 : i32
    %dma_start3A_42 = arith.constant 0 : i32
    %dma_start3A_43 = tpu.memref_slice %arg5[%dma_start3A_41, %dma_start3A_34, %dma_start3A_42] : memref<100x4x128xi32, #tpu.memory_space<vmem>> -> memref<100x1x128xi32, #tpu.memory_space<vmem>>
    %dma_start3A_44 = tpu.memref_squeeze %dma_start3A_43 : memref<100x1x128xi32, #tpu.memory_space<vmem>> -> memref<100x128xi32, #tpu.memory_space<vmem>>
    %dma_start3A_45 = arith.constant 0 : i32
    %dma_start3A_46 = tpu.memref_slice %arg2[%dma_start3A_45, %add3A_33] : memref<100x16384xi32, #tpu.memory_space<hbm>> -> memref<100x128xi32, #tpu.memory_space<hbm>>
    tpu.enqueue_dma source(%dma_start3A_46 : memref<100x128xi32, #tpu.memory_space<hbm>>) target(%dma_start3A_44 : memref<100x128xi32, #tpu.memory_space<vmem>>) target_semaphore(%arg10 : memref<!tpu.dma_semaphore, #tpu.memory_space<semaphore_mem>>)
    %add3A_47 = arith.constant 384 : i32
    %add3A_48 = arith.addi %mul3A_2, %add3A_47 : i32
    %dma_start3A_49 = arith.constant 3 : i32
    %dma_start3A_50 = arith.constant 0 : i32
    %dma_start3A_51 = arith.constant 0 : i32
    %dma_start3A_52 = tpu.memref_slice %arg5[%dma_start3A_50, %dma_start3A_49, %dma_start3A_51] : memref<100x4x128xi32, #tpu.memory_space<vmem>> -> memref<100x1x128xi32, #tpu.memory_space<vmem>>
    %dma_start3A_53 = tpu.memref_squeeze %dma_start3A_52 : memref<100x1x128xi32, #tpu.memory_space<vmem>> -> memref<100x128xi32, #tpu.memory_space<vmem>>
    %dma_start3A_54 = arith.constant 0 : i32
    %dma_start3A_55 = tpu.memref_slice %arg2[%dma_start3A_54, %add3A_48] : memref<100x16384xi32, #tpu.memory_space<hbm>> -> memref<100x128xi32, #tpu.memory_space<hbm>>
    %dma_start3A_56 = arith.constant 0 : i32
    %dma_start3A_57 = arith.constant 0 : i32
    %dma_start3A_58 = tpu.memref_slice %arg5[%dma_start3A_56, %dma_start3A_49, %dma_start3A_57] : memref<100x4x128xi32, #tpu.memory_space<vmem>> -> memref<100x1x128xi32, #tpu.memory_space<vmem>>
    %dma_start3A_59 = tpu.memref_squeeze %dma_start3A_58 : memref<100x1x128xi32, #tpu.memory_space<vmem>> -> memref<100x128xi32, #tpu.memory_space<vmem>>
    %dma_start3A_60 = arith.constant 0 : i32
    %dma_start3A_61 = tpu.memref_slice %arg2[%dma_start3A_60, %add3A_48] : memref<100x16384xi32, #tpu.memory_space<hbm>> -> memref<100x128xi32, #tpu.memory_space<hbm>>
    tpu.enqueue_dma source(%dma_start3A_61 : memref<100x128xi32, #tpu.memory_space<hbm>>) target(%dma_start3A_59 : memref<100x128xi32, #tpu.memory_space<vmem>>) target_semaphore(%arg11 : memref<!tpu.dma_semaphore, #tpu.memory_space<semaphore_mem>>)
    %dma_wait3A = arith.constant 0 : i32
    %dma_wait3A_62 = arith.constant 0 : i32
    %dma_wait3A_63 = arith.constant 0 : i32
    %dma_wait3A_64 = tpu.memref_slice %arg5[%dma_wait3A_62, %dma_wait3A, %dma_wait3A_63] : memref<100x4x128xi32, #tpu.memory_space<vmem>> -> memref<100x1x128xi32, #tpu.memory_space<vmem>>
    %dma_wait3A_65 = tpu.memref_squeeze %dma_wait3A_64 : memref<100x1x128xi32, #tpu.memory_space<vmem>> -> memref<100x128xi32, #tpu.memory_space<vmem>>
    %dma_wait3A_66 = arith.constant 0 : i32
    %dma_wait3A_67 = tpu.memref_slice %arg2[%dma_wait3A_66, %add3A_4] : memref<100x16384xi32, #tpu.memory_space<hbm>> -> memref<100x128xi32, #tpu.memory_space<hbm>>
    %dma_wait3A_68 = arith.constant 0 : i32
    %dma_wait3A_69 = arith.constant 0 : i32
    %dma_wait3A_70 = tpu.memref_slice %arg5[%dma_wait3A_68, %dma_wait3A, %dma_wait3A_69] : memref<100x4x128xi32, #tpu.memory_space<vmem>> -> memref<100x1x128xi32, #tpu.memory_space<vmem>>
    %dma_wait3A_71 = tpu.memref_squeeze %dma_wait3A_70 : memref<100x1x128xi32, #tpu.memory_space<vmem>> -> memref<100x128xi32, #tpu.memory_space<vmem>>
    %dma_wait3A_72 = arith.constant 0 : i32
    %dma_wait3A_73 = tpu.memref_slice %arg2[%dma_wait3A_72, %add3A_4] : memref<100x16384xi32, #tpu.memory_space<hbm>> -> memref<100x128xi32, #tpu.memory_space<hbm>>
    tpu.wait_dma2 semaphore(%arg8 : memref<!tpu.dma_semaphore, #tpu.memory_space<semaphore_mem>>) src(%dma_wait3A_73 : memref<100x128xi32, #tpu.memory_space<hbm>>) dst(%dma_wait3A_71 : memref<100x128xi32, #tpu.memory_space<vmem>>)
    %scan3A = arith.constant 0 : i32
    %scan3A_74 = arith.constant 0 : i32
    %scan3A_75 = arith.constant 100 : i32
    %scan3A_76 = arith.addi %scan3A_74, %scan3A_75 : i32
    %scan3A_77 = arith.constant 1 : i32
    scf.for %scan3A_195 = %scan3A_74 to %scan3A_76 step %scan3A_77  : i32 {
      %dma_start3A_196 = arith.constant 0 : i32
      %dma_start3A_197 = arith.constant 0 : i32
      %dma_start3A_198 = arith.constant 0 : i32
      %dma_start3A_199 = tpu.memref_slice %arg6[%scan3A_195, %dma_start3A_197, %dma_start3A_198] : memref<100x4x128xf32, #tpu.memory_space<vmem>> -> memref<1x1x128xf32, #tpu.memory_space<vmem>>
      %dma_start3A_200 = tpu.memref_squeeze %dma_start3A_199 : memref<1x1x128xf32, #tpu.memory_space<vmem>> -> memref<128xf32, #tpu.memory_space<vmem>>
      %dma_start3A_201 = arith.constant 0 : i32
      %dma_start3A_202 = tpu.memref_slice %arg5[%scan3A_195, %dma_start3A_196, %dma_start3A_201] : memref<100x4x128xi32, #tpu.memory_space<vmem>> -> memref<1x1x128xi32, #tpu.memory_space<vmem>>
      %dma_start3A_203 = tpu.memref_squeeze %dma_start3A_202 : memref<1x1x128xi32, #tpu.memory_space<vmem>> -> memref<128xi32, #tpu.memory_space<vmem>>
      %dma_start3A_204 = arith.constant 0 : i32
      %dma_start3A_205 = tpu.memref_slice %arg3[%dma_start3A_204] : memref<1000000xf32, #tpu.memory_space<hbm>> -> memref<1000000xf32, #tpu.memory_space<hbm>>
      tpu.enqueue_indirect_dma source(%dma_start3A_205 : memref<1000000xf32, #tpu.memory_space<hbm>>) target(%dma_start3A_200 : memref<128xf32, #tpu.memory_space<vmem>>) offsets(%dma_start3A_203 : memref<128xi32, #tpu.memory_space<vmem>>) semaphore(%arg12 : memref<!tpu.dma_semaphore, #tpu.memory_space<semaphore_mem>>)
    }
    %scan3A_78 = arith.constant 100 : i32
    %dma_wait3A_79 = arith.constant 1 : i32
    %dma_wait3A_80 = arith.constant 0 : i32
    %dma_wait3A_81 = arith.constant 0 : i32
    %dma_wait3A_82 = tpu.memref_slice %arg5[%dma_wait3A_80, %dma_wait3A_79, %dma_wait3A_81] : memref<100x4x128xi32, #tpu.memory_space<vmem>> -> memref<100x1x128xi32, #tpu.memory_space<vmem>>
    %dma_wait3A_83 = tpu.memref_squeeze %dma_wait3A_82 : memref<100x1x128xi32, #tpu.memory_space<vmem>> -> memref<100x128xi32, #tpu.memory_space<vmem>>
    %dma_wait3A_84 = arith.constant 0 : i32
    %dma_wait3A_85 = tpu.memref_slice %arg2[%dma_wait3A_84, %add3A_18] : memref<100x16384xi32, #tpu.memory_space<hbm>> -> memref<100x128xi32, #tpu.memory_space<hbm>>
    %dma_wait3A_86 = arith.constant 0 : i32
    %dma_wait3A_87 = arith.constant 0 : i32
    %dma_wait3A_88 = tpu.memref_slice %arg5[%dma_wait3A_86, %dma_wait3A_79, %dma_wait3A_87] : memref<100x4x128xi32, #tpu.memory_space<vmem>> -> memref<100x1x128xi32, #tpu.memory_space<vmem>>
    %dma_wait3A_89 = tpu.memref_squeeze %dma_wait3A_88 : memref<100x1x128xi32, #tpu.memory_space<vmem>> -> memref<100x128xi32, #tpu.memory_space<vmem>>
    %dma_wait3A_90 = arith.constant 0 : i32
    %dma_wait3A_91 = tpu.memref_slice %arg2[%dma_wait3A_90, %add3A_18] : memref<100x16384xi32, #tpu.memory_space<hbm>> -> memref<100x128xi32, #tpu.memory_space<hbm>>
    tpu.wait_dma2 semaphore(%arg9 : memref<!tpu.dma_semaphore, #tpu.memory_space<semaphore_mem>>) src(%dma_wait3A_91 : memref<100x128xi32, #tpu.memory_space<hbm>>) dst(%dma_wait3A_89 : memref<100x128xi32, #tpu.memory_space<vmem>>)
    %scan3A_92 = arith.constant 0 : i32
    %scan3A_93 = arith.constant 0 : i32
    %scan3A_94 = arith.constant 100 : i32
    %scan3A_95 = arith.addi %scan3A_93, %scan3A_94 : i32
    %scan3A_96 = arith.constant 1 : i32
    scf.for %scan3A_195 = %scan3A_93 to %scan3A_95 step %scan3A_96  : i32 {
      %dma_start3A_196 = arith.constant 1 : i32
      %dma_start3A_197 = arith.constant 1 : i32
      %dma_start3A_198 = arith.constant 0 : i32
      %dma_start3A_199 = tpu.memref_slice %arg6[%scan3A_195, %dma_start3A_197, %dma_start3A_198] : memref<100x4x128xf32, #tpu.memory_space<vmem>> -> memref<1x1x128xf32, #tpu.memory_space<vmem>>
      %dma_start3A_200 = tpu.memref_squeeze %dma_start3A_199 : memref<1x1x128xf32, #tpu.memory_space<vmem>> -> memref<128xf32, #tpu.memory_space<vmem>>
      %dma_start3A_201 = arith.constant 0 : i32
      %dma_start3A_202 = tpu.memref_slice %arg5[%scan3A_195, %dma_start3A_196, %dma_start3A_201] : memref<100x4x128xi32, #tpu.memory_space<vmem>> -> memref<1x1x128xi32, #tpu.memory_space<vmem>>
      %dma_start3A_203 = tpu.memref_squeeze %dma_start3A_202 : memref<1x1x128xi32, #tpu.memory_space<vmem>> -> memref<128xi32, #tpu.memory_space<vmem>>
      %dma_start3A_204 = arith.constant 0 : i32
      %dma_start3A_205 = tpu.memref_slice %arg3[%dma_start3A_204] : memref<1000000xf32, #tpu.memory_space<hbm>> -> memref<1000000xf32, #tpu.memory_space<hbm>>
      tpu.enqueue_indirect_dma source(%dma_start3A_205 : memref<1000000xf32, #tpu.memory_space<hbm>>) target(%dma_start3A_200 : memref<128xf32, #tpu.memory_space<vmem>>) offsets(%dma_start3A_203 : memref<128xi32, #tpu.memory_space<vmem>>) semaphore(%arg13 : memref<!tpu.dma_semaphore, #tpu.memory_space<semaphore_mem>>)
    }
    %scan3A_97 = arith.constant 100 : i32
    %dma_wait3A_98 = arith.constant 2 : i32
    %dma_wait3A_99 = arith.constant 0 : i32
    %dma_wait3A_100 = arith.constant 0 : i32
    %dma_wait3A_101 = tpu.memref_slice %arg5[%dma_wait3A_99, %dma_wait3A_98, %dma_wait3A_100] : memref<100x4x128xi32, #tpu.memory_space<vmem>> -> memref<100x1x128xi32, #tpu.memory_space<vmem>>
    %dma_wait3A_102 = tpu.memref_squeeze %dma_wait3A_101 : memref<100x1x128xi32, #tpu.memory_space<vmem>> -> memref<100x128xi32, #tpu.memory_space<vmem>>
    %dma_wait3A_103 = arith.constant 0 : i32
    %dma_wait3A_104 = tpu.memref_slice %arg2[%dma_wait3A_103, %add3A_33] : memref<100x16384xi32, #tpu.memory_space<hbm>> -> memref<100x128xi32, #tpu.memory_space<hbm>>
    %dma_wait3A_105 = arith.constant 0 : i32
    %dma_wait3A_106 = arith.constant 0 : i32
    %dma_wait3A_107 = tpu.memref_slice %arg5[%dma_wait3A_105, %dma_wait3A_98, %dma_wait3A_106] : memref<100x4x128xi32, #tpu.memory_space<vmem>> -> memref<100x1x128xi32, #tpu.memory_space<vmem>>
    %dma_wait3A_108 = tpu.memref_squeeze %dma_wait3A_107 : memref<100x1x128xi32, #tpu.memory_space<vmem>> -> memref<100x128xi32, #tpu.memory_space<vmem>>
    %dma_wait3A_109 = arith.constant 0 : i32
    %dma_wait3A_110 = tpu.memref_slice %arg2[%dma_wait3A_109, %add3A_33] : memref<100x16384xi32, #tpu.memory_space<hbm>> -> memref<100x128xi32, #tpu.memory_space<hbm>>
    tpu.wait_dma2 semaphore(%arg10 : memref<!tpu.dma_semaphore, #tpu.memory_space<semaphore_mem>>) src(%dma_wait3A_110 : memref<100x128xi32, #tpu.memory_space<hbm>>) dst(%dma_wait3A_108 : memref<100x128xi32, #tpu.memory_space<vmem>>)
    %scan3A_111 = arith.constant 0 : i32
    %scan3A_112 = arith.constant 0 : i32
    %scan3A_113 = arith.constant 100 : i32
    %scan3A_114 = arith.addi %scan3A_112, %scan3A_113 : i32
    %scan3A_115 = arith.constant 1 : i32
    scf.for %scan3A_195 = %scan3A_112 to %scan3A_114 step %scan3A_115  : i32 {
      %dma_start3A_196 = arith.constant 2 : i32
      %dma_start3A_197 = arith.constant 2 : i32
      %dma_start3A_198 = arith.constant 0 : i32
      %dma_start3A_199 = tpu.memref_slice %arg6[%scan3A_195, %dma_start3A_197, %dma_start3A_198] : memref<100x4x128xf32, #tpu.memory_space<vmem>> -> memref<1x1x128xf32, #tpu.memory_space<vmem>>
      %dma_start3A_200 = tpu.memref_squeeze %dma_start3A_199 : memref<1x1x128xf32, #tpu.memory_space<vmem>> -> memref<128xf32, #tpu.memory_space<vmem>>
      %dma_start3A_201 = arith.constant 0 : i32
      %dma_start3A_202 = tpu.memref_slice %arg5[%scan3A_195, %dma_start3A_196, %dma_start3A_201] : memref<100x4x128xi32, #tpu.memory_space<vmem>> -> memref<1x1x128xi32, #tpu.memory_space<vmem>>
      %dma_start3A_203 = tpu.memref_squeeze %dma_start3A_202 : memref<1x1x128xi32, #tpu.memory_space<vmem>> -> memref<128xi32, #tpu.memory_space<vmem>>
      %dma_start3A_204 = arith.constant 0 : i32
      %dma_start3A_205 = tpu.memref_slice %arg3[%dma_start3A_204] : memref<1000000xf32, #tpu.memory_space<hbm>> -> memref<1000000xf32, #tpu.memory_space<hbm>>
      tpu.enqueue_indirect_dma source(%dma_start3A_205 : memref<1000000xf32, #tpu.memory_space<hbm>>) target(%dma_start3A_200 : memref<128xf32, #tpu.memory_space<vmem>>) offsets(%dma_start3A_203 : memref<128xi32, #tpu.memory_space<vmem>>) semaphore(%arg14 : memref<!tpu.dma_semaphore, #tpu.memory_space<semaphore_mem>>)
    }
    %scan3A_116 = arith.constant 100 : i32
    %dma_wait3A_117 = arith.constant 3 : i32
    %dma_wait3A_118 = arith.constant 0 : i32
    %dma_wait3A_119 = arith.constant 0 : i32
    %dma_wait3A_120 = tpu.memref_slice %arg5[%dma_wait3A_118, %dma_wait3A_117, %dma_wait3A_119] : memref<100x4x128xi32, #tpu.memory_space<vmem>> -> memref<100x1x128xi32, #tpu.memory_space<vmem>>
    %dma_wait3A_121 = tpu.memref_squeeze %dma_wait3A_120 : memref<100x1x128xi32, #tpu.memory_space<vmem>> -> memref<100x128xi32, #tpu.memory_space<vmem>>
    %dma_wait3A_122 = arith.constant 0 : i32
    %dma_wait3A_123 = tpu.memref_slice %arg2[%dma_wait3A_122, %add3A_48] : memref<100x16384xi32, #tpu.memory_space<hbm>> -> memref<100x128xi32, #tpu.memory_space<hbm>>
    %dma_wait3A_124 = arith.constant 0 : i32
    %dma_wait3A_125 = arith.constant 0 : i32
    %dma_wait3A_126 = tpu.memref_slice %arg5[%dma_wait3A_124, %dma_wait3A_117, %dma_wait3A_125] : memref<100x4x128xi32, #tpu.memory_space<vmem>> -> memref<100x1x128xi32, #tpu.memory_space<vmem>>
    %dma_wait3A_127 = tpu.memref_squeeze %dma_wait3A_126 : memref<100x1x128xi32, #tpu.memory_space<vmem>> -> memref<100x128xi32, #tpu.memory_space<vmem>>
    %dma_wait3A_128 = arith.constant 0 : i32
    %dma_wait3A_129 = tpu.memref_slice %arg2[%dma_wait3A_128, %add3A_48] : memref<100x16384xi32, #tpu.memory_space<hbm>> -> memref<100x128xi32, #tpu.memory_space<hbm>>
    tpu.wait_dma2 semaphore(%arg11 : memref<!tpu.dma_semaphore, #tpu.memory_space<semaphore_mem>>) src(%dma_wait3A_129 : memref<100x128xi32, #tpu.memory_space<hbm>>) dst(%dma_wait3A_127 : memref<100x128xi32, #tpu.memory_space<vmem>>)
    %scan3A_130 = arith.constant 0 : i32
    %scan3A_131 = arith.constant 0 : i32
    %scan3A_132 = arith.constant 100 : i32
    %scan3A_133 = arith.addi %scan3A_131, %scan3A_132 : i32
    %scan3A_134 = arith.constant 1 : i32
    scf.for %scan3A_195 = %scan3A_131 to %scan3A_133 step %scan3A_134  : i32 {
      %dma_start3A_196 = arith.constant 3 : i32
      %dma_start3A_197 = arith.constant 3 : i32
      %dma_start3A_198 = arith.constant 0 : i32
      %dma_start3A_199 = tpu.memref_slice %arg6[%scan3A_195, %dma_start3A_197, %dma_start3A_198] : memref<100x4x128xf32, #tpu.memory_space<vmem>> -> memref<1x1x128xf32, #tpu.memory_space<vmem>>
      %dma_start3A_200 = tpu.memref_squeeze %dma_start3A_199 : memref<1x1x128xf32, #tpu.memory_space<vmem>> -> memref<128xf32, #tpu.memory_space<vmem>>
      %dma_start3A_201 = arith.constant 0 : i32
      %dma_start3A_202 = tpu.memref_slice %arg5[%scan3A_195, %dma_start3A_196, %dma_start3A_201] : memref<100x4x128xi32, #tpu.memory_space<vmem>> -> memref<1x1x128xi32, #tpu.memory_space<vmem>>
      %dma_start3A_203 = tpu.memref_squeeze %dma_start3A_202 : memref<1x1x128xi32, #tpu.memory_space<vmem>> -> memref<128xi32, #tpu.memory_space<vmem>>
      %dma_start3A_204 = arith.constant 0 : i32
      %dma_start3A_205 = tpu.memref_slice %arg3[%dma_start3A_204] : memref<1000000xf32, #tpu.memory_space<hbm>> -> memref<1000000xf32, #tpu.memory_space<hbm>>
      tpu.enqueue_indirect_dma source(%dma_start3A_205 : memref<1000000xf32, #tpu.memory_space<hbm>>) target(%dma_start3A_200 : memref<128xf32, #tpu.memory_space<vmem>>) offsets(%dma_start3A_203 : memref<128xi32, #tpu.memory_space<vmem>>) semaphore(%arg15 : memref<!tpu.dma_semaphore, #tpu.memory_space<semaphore_mem>>)
    }
    %scan3A_135 = arith.constant 100 : i32
    %broadcast_in_dim3A = arith.constant 0.000000e+00 : f32
    %broadcast_in_dim3A_136 = vector.broadcast %broadcast_in_dim3A : f32 to vector<16xf32>
    %scan3A_137 = arith.constant 0 : i32
    %scan3A_138 = arith.constant 0 : i32
    %scan3A_139 = arith.constant 100 : i32
    %scan3A_140 = arith.addi %scan3A_138, %scan3A_139 : i32
    %scan3A_141 = arith.constant 1 : i32
    scf.for %scan3A_195 = %scan3A_138 to %scan3A_140 step %scan3A_141  : i32 {
      %dma_wait3A_196 = arith.constant 0 : i32
      %dma_wait3A_197 = arith.constant 0 : i32
      %dma_wait3A_198 = arith.constant 0 : i32
      %dma_wait3A_199 = tpu.memref_slice %arg6[%scan3A_195, %dma_wait3A_197, %dma_wait3A_198] : memref<100x4x128xf32, #tpu.memory_space<vmem>> -> memref<1x1x128xf32, #tpu.memory_space<vmem>>
      %dma_wait3A_200 = tpu.memref_squeeze %dma_wait3A_199 : memref<1x1x128xf32, #tpu.memory_space<vmem>> -> memref<128xf32, #tpu.memory_space<vmem>>
      %dma_wait3A_201 = arith.constant 0 : i32
      %dma_wait3A_202 = tpu.memref_slice %arg5[%scan3A_195, %dma_wait3A_196, %dma_wait3A_201] : memref<100x4x128xi32, #tpu.memory_space<vmem>> -> memref<1x1x128xi32, #tpu.memory_space<vmem>>
      %dma_wait3A_203 = tpu.memref_squeeze %dma_wait3A_202 : memref<1x1x128xi32, #tpu.memory_space<vmem>> -> memref<128xi32, #tpu.memory_space<vmem>>
      %dma_wait3A_204 = arith.constant 0 : i32
      %dma_wait3A_205 = tpu.memref_slice %arg3[%dma_wait3A_204] : memref<1000000xf32, #tpu.memory_space<hbm>> -> memref<1000000xf32, #tpu.memory_space<hbm>>
      tpu.wait_indirect_dma semaphore(%arg12 : memref<!tpu.dma_semaphore, #tpu.memory_space<semaphore_mem>>) src(%dma_wait3A_205 : memref<1000000xf32, #tpu.memory_space<hbm>>) dst(%dma_wait3A_200 : memref<128xf32, #tpu.memory_space<vmem>>)
    }
    %scan3A_142 = arith.constant 100 : i32
    %scan3A_143 = arith.constant 0 : i32
    %scan3A_144 = arith.constant 100 : i32
    %scan3A_145 = arith.addi %scan3A_143, %scan3A_144 : i32
    %scan3A_146 = arith.constant 1 : i32
    %scan3A_147:8 = scf.for %scan3A_195 = %scan3A_143 to %scan3A_145 step %scan3A_146 iter_args(%scan3A_196 = %broadcast_in_dim3A_136, %scan3A_197 = %broadcast_in_dim3A_136, %scan3A_198 = %broadcast_in_dim3A_136, %scan3A_199 = %broadcast_in_dim3A_136, %scan3A_200 = %broadcast_in_dim3A_136, %scan3A_201 = %broadcast_in_dim3A_136, %scan3A_202 = %broadcast_in_dim3A_136, %scan3A_203 = %broadcast_in_dim3A_136) -> (vector<16xf32>, vector<16xf32>, vector<16xf32>, vector<16xf32>, vector<16xf32>, vector<16xf32>, vector<16xf32>, vector<16xf32>)  : i32 {
      %get3A = arith.constant 0 : i32
      %get3A_204 = arith.index_cast %scan3A_195 : i32 to index
      %get3A_205 = arith.index_cast %get3A : i32 to index
      %get3A_206 = arith.constant 0 : index
      %get3A_207 = tpu.vector_load %arg6[%get3A_204, %get3A_205, %get3A_206] {strides = array<i32>} : memref<100x4x128xf32, #tpu.memory_space<vmem>>, vector<1x1x16xf32>,
      %get3A_208 = vector.shape_cast %get3A_207 : vector<1x1x16xf32> to vector<16xf32>
      %add3A_209 = arith.addf %scan3A_196, %get3A_208 : vector<16xf32>
      %get3A_210 = arith.constant 0 : i32
      %get3A_211 = arith.index_cast %scan3A_195 : i32 to index
      %get3A_212 = arith.index_cast %get3A_210 : i32 to index
      %get3A_213 = arith.constant 16 : index
      %get3A_214 = tpu.vector_load %arg6[%get3A_211, %get3A_212, %get3A_213] {strides = array<i32>} : memref<100x4x128xf32, #tpu.memory_space<vmem>>, vector<1x1x16xf32>,
      %get3A_215 = vector.shape_cast %get3A_214 : vector<1x1x16xf32> to vector<16xf32>
      %add3A_216 = arith.addf %scan3A_197, %get3A_215 : vector<16xf32>
      %get3A_217 = arith.constant 0 : i32
      %get3A_218 = arith.index_cast %scan3A_195 : i32 to index
      %get3A_219 = arith.index_cast %get3A_217 : i32 to index
      %get3A_220 = arith.constant 32 : index
      %get3A_221 = tpu.vector_load %arg6[%get3A_218, %get3A_219, %get3A_220] {strides = array<i32>} : memref<100x4x128xf32, #tpu.memory_space<vmem>>, vector<1x1x16xf32>,
      %get3A_222 = vector.shape_cast %get3A_221 : vector<1x1x16xf32> to vector<16xf32>
      %add3A_223 = arith.addf %scan3A_198, %get3A_222 : vector<16xf32>
      %get3A_224 = arith.constant 0 : i32
      %get3A_225 = arith.index_cast %scan3A_195 : i32 to index
      %get3A_226 = arith.index_cast %get3A_224 : i32 to index
      %get3A_227 = arith.constant 48 : index
      %get3A_228 = tpu.vector_load %arg6[%get3A_225, %get3A_226, %get3A_227] {strides = array<i32>} : memref<100x4x128xf32, #tpu.memory_space<vmem>>, vector<1x1x16xf32>,
      %get3A_229 = vector.shape_cast %get3A_228 : vector<1x1x16xf32> to vector<16xf32>
      %add3A_230 = arith.addf %scan3A_199, %get3A_229 : vector<16xf32>
      %get3A_231 = arith.constant 0 : i32
      %get3A_232 = arith.index_cast %scan3A_195 : i32 to index
      %get3A_233 = arith.index_cast %get3A_231 : i32 to index
      %get3A_234 = arith.constant 64 : index
      %get3A_235 = tpu.vector_load %arg6[%get3A_232, %get3A_233, %get3A_234] {strides = array<i32>} : memref<100x4x128xf32, #tpu.memory_space<vmem>>, vector<1x1x16xf32>,
      %get3A_236 = vector.shape_cast %get3A_235 : vector<1x1x16xf32> to vector<16xf32>
      %add3A_237 = arith.addf %scan3A_200, %get3A_236 : vector<16xf32>
      %get3A_238 = arith.constant 0 : i32
      %get3A_239 = arith.index_cast %scan3A_195 : i32 to index
      %get3A_240 = arith.index_cast %get3A_238 : i32 to index
      %get3A_241 = arith.constant 80 : index
      %get3A_242 = tpu.vector_load %arg6[%get3A_239, %get3A_240, %get3A_241] {strides = array<i32>} : memref<100x4x128xf32, #tpu.memory_space<vmem>>, vector<1x1x16xf32>,
      %get3A_243 = vector.shape_cast %get3A_242 : vector<1x1x16xf32> to vector<16xf32>
      %add3A_244 = arith.addf %scan3A_201, %get3A_243 : vector<16xf32>
      %get3A_245 = arith.constant 0 : i32
      %get3A_246 = arith.index_cast %scan3A_195 : i32 to index
      %get3A_247 = arith.index_cast %get3A_245 : i32 to index
      %get3A_248 = arith.constant 96 : index
      %get3A_249 = tpu.vector_load %arg6[%get3A_246, %get3A_247, %get3A_248] {strides = array<i32>} : memref<100x4x128xf32, #tpu.memory_space<vmem>>, vector<1x1x16xf32>,
      %get3A_250 = vector.shape_cast %get3A_249 : vector<1x1x16xf32> to vector<16xf32>
      %add3A_251 = arith.addf %scan3A_202, %get3A_250 : vector<16xf32>
      %get3A_252 = arith.constant 0 : i32
      %get3A_253 = arith.index_cast %scan3A_195 : i32 to index
      %get3A_254 = arith.index_cast %get3A_252 : i32 to index
      %get3A_255 = arith.constant 112 : index
      %get3A_256 = tpu.vector_load %arg6[%get3A_253, %get3A_254, %get3A_255] {strides = array<i32>} : memref<100x4x128xf32, #tpu.memory_space<vmem>>, vector<1x1x16xf32>,
      %get3A_257 = vector.shape_cast %get3A_256 : vector<1x1x16xf32> to vector<16xf32>
      %add3A_258 = arith.addf %scan3A_203, %get3A_257 : vector<16xf32>
      scf.yield %add3A_209, %add3A_216, %add3A_223, %add3A_230, %add3A_237, %add3A_244, %add3A_251, %add3A_258 : vector<16xf32>, vector<16xf32>, vector<16xf32>, vector<16xf32>, vector<16xf32>, vector<16xf32>, vector<16xf32>, vector<16xf32>
    }
    %scan3A_148 = arith.constant 100 : i32
    %scan3A_149 = arith.constant 0 : i32
    %scan3A_150 = arith.constant 0 : i32
    %scan3A_151 = arith.constant 100 : i32
    %scan3A_152 = arith.addi %scan3A_150, %scan3A_151 : i32
    %scan3A_153 = arith.constant 1 : i32
    scf.for %scan3A_195 = %scan3A_150 to %scan3A_152 step %scan3A_153  : i32 {
      %dma_wait3A_196 = arith.constant 1 : i32
      %dma_wait3A_197 = arith.constant 1 : i32
      %dma_wait3A_198 = arith.constant 0 : i32
      %dma_wait3A_199 = tpu.memref_slice %arg6[%scan3A_195, %dma_wait3A_197, %dma_wait3A_198] : memref<100x4x128xf32, #tpu.memory_space<vmem>> -> memref<1x1x128xf32, #tpu.memory_space<vmem>>
      %dma_wait3A_200 = tpu.memref_squeeze %dma_wait3A_199 : memref<1x1x128xf32, #tpu.memory_space<vmem>> -> memref<128xf32, #tpu.memory_space<vmem>>
      %dma_wait3A_201 = arith.constant 0 : i32
      %dma_wait3A_202 = tpu.memref_slice %arg5[%scan3A_195, %dma_wait3A_196, %dma_wait3A_201] : memref<100x4x128xi32, #tpu.memory_space<vmem>> -> memref<1x1x128xi32, #tpu.memory_space<vmem>>
      %dma_wait3A_203 = tpu.memref_squeeze %dma_wait3A_202 : memref<1x1x128xi32, #tpu.memory_space<vmem>> -> memref<128xi32, #tpu.memory_space<vmem>>
      %dma_wait3A_204 = arith.constant 0 : i32
      %dma_wait3A_205 = tpu.memref_slice %arg3[%dma_wait3A_204] : memref<1000000xf32, #tpu.memory_space<hbm>> -> memref<1000000xf32, #tpu.memory_space<hbm>>
      tpu.wait_indirect_dma semaphore(%arg13 : memref<!tpu.dma_semaphore, #tpu.memory_space<semaphore_mem>>) src(%dma_wait3A_205 : memref<1000000xf32, #tpu.memory_space<hbm>>) dst(%dma_wait3A_200 : memref<128xf32, #tpu.memory_space<vmem>>)
    }
    %scan3A_154 = arith.constant 100 : i32
    %scan3A_155 = arith.constant 0 : i32
    %scan3A_156 = arith.constant 100 : i32
    %scan3A_157 = arith.addi %scan3A_155, %scan3A_156 : i32
    %scan3A_158 = arith.constant 1 : i32
    %scan3A_159:8 = scf.for %scan3A_195 = %scan3A_155 to %scan3A_157 step %scan3A_158 iter_args(%scan3A_196 = %scan3A_147#0, %scan3A_197 = %scan3A_147#1, %scan3A_198 = %scan3A_147#2, %scan3A_199 = %scan3A_147#3, %scan3A_200 = %scan3A_147#4, %scan3A_201 = %scan3A_147#5, %scan3A_202 = %scan3A_147#6, %scan3A_203 = %scan3A_147#7) -> (vector<16xf32>, vector<16xf32>, vector<16xf32>, vector<16xf32>, vector<16xf32>, vector<16xf32>, vector<16xf32>, vector<16xf32>)  : i32 {
      %get3A = arith.constant 1 : i32
      %get3A_204 = arith.index_cast %scan3A_195 : i32 to index
      %get3A_205 = arith.index_cast %get3A : i32 to index
      %get3A_206 = arith.constant 0 : index
      %get3A_207 = tpu.vector_load %arg6[%get3A_204, %get3A_205, %get3A_206] {strides = array<i32>} : memref<100x4x128xf32, #tpu.memory_space<vmem>>, vector<1x1x16xf32>,
      %get3A_208 = vector.shape_cast %get3A_207 : vector<1x1x16xf32> to vector<16xf32>
      %add3A_209 = arith.addf %scan3A_196, %get3A_208 : vector<16xf32>
      %get3A_210 = arith.constant 1 : i32
      %get3A_211 = arith.index_cast %scan3A_195 : i32 to index
      %get3A_212 = arith.index_cast %get3A_210 : i32 to index
      %get3A_213 = arith.constant 16 : index
      %get3A_214 = tpu.vector_load %arg6[%get3A_211, %get3A_212, %get3A_213] {strides = array<i32>} : memref<100x4x128xf32, #tpu.memory_space<vmem>>, vector<1x1x16xf32>,
      %get3A_215 = vector.shape_cast %get3A_214 : vector<1x1x16xf32> to vector<16xf32>
      %add3A_216 = arith.addf %scan3A_197, %get3A_215 : vector<16xf32>
      %get3A_217 = arith.constant 1 : i32
      %get3A_218 = arith.index_cast %scan3A_195 : i32 to index
      %get3A_219 = arith.index_cast %get3A_217 : i32 to index
      %get3A_220 = arith.constant 32 : index
      %get3A_221 = tpu.vector_load %arg6[%get3A_218, %get3A_219, %get3A_220] {strides = array<i32>} : memref<100x4x128xf32, #tpu.memory_space<vmem>>, vector<1x1x16xf32>,
      %get3A_222 = vector.shape_cast %get3A_221 : vector<1x1x16xf32> to vector<16xf32>
      %add3A_223 = arith.addf %scan3A_198, %get3A_222 : vector<16xf32>
      %get3A_224 = arith.constant 1 : i32
      %get3A_225 = arith.index_cast %scan3A_195 : i32 to index
      %get3A_226 = arith.index_cast %get3A_224 : i32 to index
      %get3A_227 = arith.constant 48 : index
      %get3A_228 = tpu.vector_load %arg6[%get3A_225, %get3A_226, %get3A_227] {strides = array<i32>} : memref<100x4x128xf32, #tpu.memory_space<vmem>>, vector<1x1x16xf32>,
      %get3A_229 = vector.shape_cast %get3A_228 : vector<1x1x16xf32> to vector<16xf32>
      %add3A_230 = arith.addf %scan3A_199, %get3A_229 : vector<16xf32>
      %get3A_231 = arith.constant 1 : i32
      %get3A_232 = arith.index_cast %scan3A_195 : i32 to index
      %get3A_233 = arith.index_cast %get3A_231 : i32 to index
      %get3A_234 = arith.constant 64 : index
      %get3A_235 = tpu.vector_load %arg6[%get3A_232, %get3A_233, %get3A_234] {strides = array<i32>} : memref<100x4x128xf32, #tpu.memory_space<vmem>>, vector<1x1x16xf32>,
      %get3A_236 = vector.shape_cast %get3A_235 : vector<1x1x16xf32> to vector<16xf32>
      %add3A_237 = arith.addf %scan3A_200, %get3A_236 : vector<16xf32>
      %get3A_238 = arith.constant 1 : i32
      %get3A_239 = arith.index_cast %scan3A_195 : i32 to index
      %get3A_240 = arith.index_cast %get3A_238 : i32 to index
      %get3A_241 = arith.constant 80 : index
      %get3A_242 = tpu.vector_load %arg6[%get3A_239, %get3A_240, %get3A_241] {strides = array<i32>} : memref<100x4x128xf32, #tpu.memory_space<vmem>>, vector<1x1x16xf32>,
      %get3A_243 = vector.shape_cast %get3A_242 : vector<1x1x16xf32> to vector<16xf32>
      %add3A_244 = arith.addf %scan3A_201, %get3A_243 : vector<16xf32>
      %get3A_245 = arith.constant 1 : i32
      %get3A_246 = arith.index_cast %scan3A_195 : i32 to index
      %get3A_247 = arith.index_cast %get3A_245 : i32 to index
      %get3A_248 = arith.constant 96 : index
      %get3A_249 = tpu.vector_load %arg6[%get3A_246, %get3A_247, %get3A_248] {strides = array<i32>} : memref<100x4x128xf32, #tpu.memory_space<vmem>>, vector<1x1x16xf32>,
      %get3A_250 = vector.shape_cast %get3A_249 : vector<1x1x16xf32> to vector<16xf32>
      %add3A_251 = arith.addf %scan3A_202, %get3A_250 : vector<16xf32>
      %get3A_252 = arith.constant 1 : i32
      %get3A_253 = arith.index_cast %scan3A_195 : i32 to index
      %get3A_254 = arith.index_cast %get3A_252 : i32 to index
      %get3A_255 = arith.constant 112 : index
      %get3A_256 = tpu.vector_load %arg6[%get3A_253, %get3A_254, %get3A_255] {strides = array<i32>} : memref<100x4x128xf32, #tpu.memory_space<vmem>>, vector<1x1x16xf32>,
      %get3A_257 = vector.shape_cast %get3A_256 : vector<1x1x16xf32> to vector<16xf32>
      %add3A_258 = arith.addf %scan3A_203, %get3A_257 : vector<16xf32>
      scf.yield %add3A_209, %add3A_216, %add3A_223, %add3A_230, %add3A_237, %add3A_244, %add3A_251, %add3A_258 : vector<16xf32>, vector<16xf32>, vector<16xf32>, vector<16xf32>, vector<16xf32>, vector<16xf32>, vector<16xf32>, vector<16xf32>
    }
    %scan3A_160 = arith.constant 100 : i32
    %scan3A_161 = arith.constant 0 : i32
    %scan3A_162 = arith.constant 0 : i32
    %scan3A_163 = arith.constant 100 : i32
    %scan3A_164 = arith.addi %scan3A_162, %scan3A_163 : i32
    %scan3A_165 = arith.constant 1 : i32
    scf.for %scan3A_195 = %scan3A_162 to %scan3A_164 step %scan3A_165  : i32 {
      %dma_wait3A_196 = arith.constant 2 : i32
      %dma_wait3A_197 = arith.constant 2 : i32
      %dma_wait3A_198 = arith.constant 0 : i32
      %dma_wait3A_199 = tpu.memref_slice %arg6[%scan3A_195, %dma_wait3A_197, %dma_wait3A_198] : memref<100x4x128xf32, #tpu.memory_space<vmem>> -> memref<1x1x128xf32, #tpu.memory_space<vmem>>
      %dma_wait3A_200 = tpu.memref_squeeze %dma_wait3A_199 : memref<1x1x128xf32, #tpu.memory_space<vmem>> -> memref<128xf32, #tpu.memory_space<vmem>>
      %dma_wait3A_201 = arith.constant 0 : i32
      %dma_wait3A_202 = tpu.memref_slice %arg5[%scan3A_195, %dma_wait3A_196, %dma_wait3A_201] : memref<100x4x128xi32, #tpu.memory_space<vmem>> -> memref<1x1x128xi32, #tpu.memory_space<vmem>>
      %dma_wait3A_203 = tpu.memref_squeeze %dma_wait3A_202 : memref<1x1x128xi32, #tpu.memory_space<vmem>> -> memref<128xi32, #tpu.memory_space<vmem>>
      %dma_wait3A_204 = arith.constant 0 : i32
      %dma_wait3A_205 = tpu.memref_slice %arg3[%dma_wait3A_204] : memref<1000000xf32, #tpu.memory_space<hbm>> -> memref<1000000xf32, #tpu.memory_space<hbm>>
      tpu.wait_indirect_dma semaphore(%arg14 : memref<!tpu.dma_semaphore, #tpu.memory_space<semaphore_mem>>) src(%dma_wait3A_205 : memref<1000000xf32, #tpu.memory_space<hbm>>) dst(%dma_wait3A_200 : memref<128xf32, #tpu.memory_space<vmem>>)
    }
    %scan3A_166 = arith.constant 100 : i32
    %scan3A_167 = arith.constant 0 : i32
    %scan3A_168 = arith.constant 100 : i32
    %scan3A_169 = arith.addi %scan3A_167, %scan3A_168 : i32
    %scan3A_170 = arith.constant 1 : i32
    %scan3A_171:8 = scf.for %scan3A_195 = %scan3A_167 to %scan3A_169 step %scan3A_170 iter_args(%scan3A_196 = %scan3A_159#0, %scan3A_197 = %scan3A_159#1, %scan3A_198 = %scan3A_159#2, %scan3A_199 = %scan3A_159#3, %scan3A_200 = %scan3A_159#4, %scan3A_201 = %scan3A_159#5, %scan3A_202 = %scan3A_159#6, %scan3A_203 = %scan3A_159#7) -> (vector<16xf32>, vector<16xf32>, vector<16xf32>, vector<16xf32>, vector<16xf32>, vector<16xf32>, vector<16xf32>, vector<16xf32>)  : i32 {
      %get3A = arith.constant 2 : i32
      %get3A_204 = arith.index_cast %scan3A_195 : i32 to index
      %get3A_205 = arith.index_cast %get3A : i32 to index
      %get3A_206 = arith.constant 0 : index
      %get3A_207 = tpu.vector_load %arg6[%get3A_204, %get3A_205, %get3A_206] {strides = array<i32>} : memref<100x4x128xf32, #tpu.memory_space<vmem>>, vector<1x1x16xf32>,
      %get3A_208 = vector.shape_cast %get3A_207 : vector<1x1x16xf32> to vector<16xf32>
      %add3A_209 = arith.addf %scan3A_196, %get3A_208 : vector<16xf32>
      %get3A_210 = arith.constant 2 : i32
      %get3A_211 = arith.index_cast %scan3A_195 : i32 to index
      %get3A_212 = arith.index_cast %get3A_210 : i32 to index
      %get3A_213 = arith.constant 16 : index
      %get3A_214 = tpu.vector_load %arg6[%get3A_211, %get3A_212, %get3A_213] {strides = array<i32>} : memref<100x4x128xf32, #tpu.memory_space<vmem>>, vector<1x1x16xf32>,
      %get3A_215 = vector.shape_cast %get3A_214 : vector<1x1x16xf32> to vector<16xf32>
      %add3A_216 = arith.addf %scan3A_197, %get3A_215 : vector<16xf32>
      %get3A_217 = arith.constant 2 : i32
      %get3A_218 = arith.index_cast %scan3A_195 : i32 to index
      %get3A_219 = arith.index_cast %get3A_217 : i32 to index
      %get3A_220 = arith.constant 32 : index
      %get3A_221 = tpu.vector_load %arg6[%get3A_218, %get3A_219, %get3A_220] {strides = array<i32>} : memref<100x4x128xf32, #tpu.memory_space<vmem>>, vector<1x1x16xf32>,
      %get3A_222 = vector.shape_cast %get3A_221 : vector<1x1x16xf32> to vector<16xf32>
      %add3A_223 = arith.addf %scan3A_198, %get3A_222 : vector<16xf32>
      %get3A_224 = arith.constant 2 : i32
      %get3A_225 = arith.index_cast %scan3A_195 : i32 to index
      %get3A_226 = arith.index_cast %get3A_224 : i32 to index
      %get3A_227 = arith.constant 48 : index
      %get3A_228 = tpu.vector_load %arg6[%get3A_225, %get3A_226, %get3A_227] {strides = array<i32>} : memref<100x4x128xf32, #tpu.memory_space<vmem>>, vector<1x1x16xf32>,
      %get3A_229 = vector.shape_cast %get3A_228 : vector<1x1x16xf32> to vector<16xf32>
      %add3A_230 = arith.addf %scan3A_199, %get3A_229 : vector<16xf32>
      %get3A_231 = arith.constant 2 : i32
      %get3A_232 = arith.index_cast %scan3A_195 : i32 to index
      %get3A_233 = arith.index_cast %get3A_231 : i32 to index
      %get3A_234 = arith.constant 64 : index
      %get3A_235 = tpu.vector_load %arg6[%get3A_232, %get3A_233, %get3A_234] {strides = array<i32>} : memref<100x4x128xf32, #tpu.memory_space<vmem>>, vector<1x1x16xf32>,
      %get3A_236 = vector.shape_cast %get3A_235 : vector<1x1x16xf32> to vector<16xf32>
      %add3A_237 = arith.addf %scan3A_200, %get3A_236 : vector<16xf32>
      %get3A_238 = arith.constant 2 : i32
      %get3A_239 = arith.index_cast %scan3A_195 : i32 to index
      %get3A_240 = arith.index_cast %get3A_238 : i32 to index
      %get3A_241 = arith.constant 80 : index
      %get3A_242 = tpu.vector_load %arg6[%get3A_239, %get3A_240, %get3A_241] {strides = array<i32>} : memref<100x4x128xf32, #tpu.memory_space<vmem>>, vector<1x1x16xf32>,
      %get3A_243 = vector.shape_cast %get3A_242 : vector<1x1x16xf32> to vector<16xf32>
      %add3A_244 = arith.addf %scan3A_201, %get3A_243 : vector<16xf32>
      %get3A_245 = arith.constant 2 : i32
      %get3A_246 = arith.index_cast %scan3A_195 : i32 to index
      %get3A_247 = arith.index_cast %get3A_245 : i32 to index
      %get3A_248 = arith.constant 96 : index
      %get3A_249 = tpu.vector_load %arg6[%get3A_246, %get3A_247, %get3A_248] {strides = array<i32>} : memref<100x4x128xf32, #tpu.memory_space<vmem>>, vector<1x1x16xf32>,
      %get3A_250 = vector.shape_cast %get3A_249 : vector<1x1x16xf32> to vector<16xf32>
      %add3A_251 = arith.addf %scan3A_202, %get3A_250 : vector<16xf32>
      %get3A_252 = arith.constant 2 : i32
      %get3A_253 = arith.index_cast %scan3A_195 : i32 to index
      %get3A_254 = arith.index_cast %get3A_252 : i32 to index
      %get3A_255 = arith.constant 112 : index
      %get3A_256 = tpu.vector_load %arg6[%get3A_253, %get3A_254, %get3A_255] {strides = array<i32>} : memref<100x4x128xf32, #tpu.memory_space<vmem>>, vector<1x1x16xf32>,
      %get3A_257 = vector.shape_cast %get3A_256 : vector<1x1x16xf32> to vector<16xf32>
      %add3A_258 = arith.addf %scan3A_203, %get3A_257 : vector<16xf32>
      scf.yield %add3A_209, %add3A_216, %add3A_223, %add3A_230, %add3A_237, %add3A_244, %add3A_251, %add3A_258 : vector<16xf32>, vector<16xf32>, vector<16xf32>, vector<16xf32>, vector<16xf32>, vector<16xf32>, vector<16xf32>, vector<16xf32>
    }
    %scan3A_172 = arith.constant 100 : i32
    %scan3A_173 = arith.constant 0 : i32
    %scan3A_174 = arith.constant 0 : i32
    %scan3A_175 = arith.constant 100 : i32
    %scan3A_176 = arith.addi %scan3A_174, %scan3A_175 : i32
    %scan3A_177 = arith.constant 1 : i32
    scf.for %scan3A_195 = %scan3A_174 to %scan3A_176 step %scan3A_177  : i32 {
      %dma_wait3A_196 = arith.constant 3 : i32
      %dma_wait3A_197 = arith.constant 3 : i32
      %dma_wait3A_198 = arith.constant 0 : i32
      %dma_wait3A_199 = tpu.memref_slice %arg6[%scan3A_195, %dma_wait3A_197, %dma_wait3A_198] : memref<100x4x128xf32, #tpu.memory_space<vmem>> -> memref<1x1x128xf32, #tpu.memory_space<vmem>>
      %dma_wait3A_200 = tpu.memref_squeeze %dma_wait3A_199 : memref<1x1x128xf32, #tpu.memory_space<vmem>> -> memref<128xf32, #tpu.memory_space<vmem>>
      %dma_wait3A_201 = arith.constant 0 : i32
      %dma_wait3A_202 = tpu.memref_slice %arg5[%scan3A_195, %dma_wait3A_196, %dma_wait3A_201] : memref<100x4x128xi32, #tpu.memory_space<vmem>> -> memref<1x1x128xi32, #tpu.memory_space<vmem>>
      %dma_wait3A_203 = tpu.memref_squeeze %dma_wait3A_202 : memref<1x1x128xi32, #tpu.memory_space<vmem>> -> memref<128xi32, #tpu.memory_space<vmem>>
      %dma_wait3A_204 = arith.constant 0 : i32
      %dma_wait3A_205 = tpu.memref_slice %arg3[%dma_wait3A_204] : memref<1000000xf32, #tpu.memory_space<hbm>> -> memref<1000000xf32, #tpu.memory_space<hbm>>
      tpu.wait_indirect_dma semaphore(%arg15 : memref<!tpu.dma_semaphore, #tpu.memory_space<semaphore_mem>>) src(%dma_wait3A_205 : memref<1000000xf32, #tpu.memory_space<hbm>>) dst(%dma_wait3A_200 : memref<128xf32, #tpu.memory_space<vmem>>)
    }
    %scan3A_178 = arith.constant 100 : i32
    %scan3A_179 = arith.constant 0 : i32
    %scan3A_180 = arith.constant 100 : i32
    %scan3A_181 = arith.addi %scan3A_179, %scan3A_180 : i32
    %scan3A_182 = arith.constant 1 : i32
    %scan3A_183:8 = scf.for %scan3A_195 = %scan3A_179 to %scan3A_181 step %scan3A_182 iter_args(%scan3A_196 = %scan3A_171#0, %scan3A_197 = %scan3A_171#1, %scan3A_198 = %scan3A_171#2, %scan3A_199 = %scan3A_171#3, %scan3A_200 = %scan3A_171#4, %scan3A_201 = %scan3A_171#5, %scan3A_202 = %scan3A_171#6, %scan3A_203 = %scan3A_171#7) -> (vector<16xf32>, vector<16xf32>, vector<16xf32>, vector<16xf32>, vector<16xf32>, vector<16xf32>, vector<16xf32>, vector<16xf32>)  : i32 {
      %get3A = arith.constant 3 : i32
      %get3A_204 = arith.index_cast %scan3A_195 : i32 to index
      %get3A_205 = arith.index_cast %get3A : i32 to index
      %get3A_206 = arith.constant 0 : index
      %get3A_207 = tpu.vector_load %arg6[%get3A_204, %get3A_205, %get3A_206] {strides = array<i32>} : memref<100x4x128xf32, #tpu.memory_space<vmem>>, vector<1x1x16xf32>,
      %get3A_208 = vector.shape_cast %get3A_207 : vector<1x1x16xf32> to vector<16xf32>
      %add3A_209 = arith.addf %scan3A_196, %get3A_208 : vector<16xf32>
      %get3A_210 = arith.constant 3 : i32
      %get3A_211 = arith.index_cast %scan3A_195 : i32 to index
      %get3A_212 = arith.index_cast %get3A_210 : i32 to index
      %get3A_213 = arith.constant 16 : index
      %get3A_214 = tpu.vector_load %arg6[%get3A_211, %get3A_212, %get3A_213] {strides = array<i32>} : memref<100x4x128xf32, #tpu.memory_space<vmem>>, vector<1x1x16xf32>,
      %get3A_215 = vector.shape_cast %get3A_214 : vector<1x1x16xf32> to vector<16xf32>
      %add3A_216 = arith.addf %scan3A_197, %get3A_215 : vector<16xf32>
      %get3A_217 = arith.constant 3 : i32
      %get3A_218 = arith.index_cast %scan3A_195 : i32 to index
      %get3A_219 = arith.index_cast %get3A_217 : i32 to index
      %get3A_220 = arith.constant 32 : index
      %get3A_221 = tpu.vector_load %arg6[%get3A_218, %get3A_219, %get3A_220] {strides = array<i32>} : memref<100x4x128xf32, #tpu.memory_space<vmem>>, vector<1x1x16xf32>,
      %get3A_222 = vector.shape_cast %get3A_221 : vector<1x1x16xf32> to vector<16xf32>
      %add3A_223 = arith.addf %scan3A_198, %get3A_222 : vector<16xf32>
      %get3A_224 = arith.constant 3 : i32
      %get3A_225 = arith.index_cast %scan3A_195 : i32 to index
      %get3A_226 = arith.index_cast %get3A_224 : i32 to index
      %get3A_227 = arith.constant 48 : index
      %get3A_228 = tpu.vector_load %arg6[%get3A_225, %get3A_226, %get3A_227] {strides = array<i32>} : memref<100x4x128xf32, #tpu.memory_space<vmem>>, vector<1x1x16xf32>,
      %get3A_229 = vector.shape_cast %get3A_228 : vector<1x1x16xf32> to vector<16xf32>
      %add3A_230 = arith.addf %scan3A_199, %get3A_229 : vector<16xf32>
      %get3A_231 = arith.constant 3 : i32
      %get3A_232 = arith.index_cast %scan3A_195 : i32 to index
      %get3A_233 = arith.index_cast %get3A_231 : i32 to index
      %get3A_234 = arith.constant 64 : index
      %get3A_235 = tpu.vector_load %arg6[%get3A_232, %get3A_233, %get3A_234] {strides = array<i32>} : memref<100x4x128xf32, #tpu.memory_space<vmem>>, vector<1x1x16xf32>,
      %get3A_236 = vector.shape_cast %get3A_235 : vector<1x1x16xf32> to vector<16xf32>
      %add3A_237 = arith.addf %scan3A_200, %get3A_236 : vector<16xf32>
      %get3A_238 = arith.constant 3 : i32
      %get3A_239 = arith.index_cast %scan3A_195 : i32 to index
      %get3A_240 = arith.index_cast %get3A_238 : i32 to index
      %get3A_241 = arith.constant 80 : index
      %get3A_242 = tpu.vector_load %arg6[%get3A_239, %get3A_240, %get3A_241] {strides = array<i32>} : memref<100x4x128xf32, #tpu.memory_space<vmem>>, vector<1x1x16xf32>,
      %get3A_243 = vector.shape_cast %get3A_242 : vector<1x1x16xf32> to vector<16xf32>
      %add3A_244 = arith.addf %scan3A_201, %get3A_243 : vector<16xf32>
      %get3A_245 = arith.constant 3 : i32
      %get3A_246 = arith.index_cast %scan3A_195 : i32 to index
      %get3A_247 = arith.index_cast %get3A_245 : i32 to index
      %get3A_248 = arith.constant 96 : index
      %get3A_249 = tpu.vector_load %arg6[%get3A_246, %get3A_247, %get3A_248] {strides = array<i32>} : memref<100x4x128xf32, #tpu.memory_space<vmem>>, vector<1x1x16xf32>,
      %get3A_250 = vector.shape_cast %get3A_249 : vector<1x1x16xf32> to vector<16xf32>
      %add3A_251 = arith.addf %scan3A_202, %get3A_250 : vector<16xf32>
      %get3A_252 = arith.constant 3 : i32
      %get3A_253 = arith.index_cast %scan3A_195 : i32 to index
      %get3A_254 = arith.index_cast %get3A_252 : i32 to index
      %get3A_255 = arith.constant 112 : index
      %get3A_256 = tpu.vector_load %arg6[%get3A_253, %get3A_254, %get3A_255] {strides = array<i32>} : memref<100x4x128xf32, #tpu.memory_space<vmem>>, vector<1x1x16xf32>,
      %get3A_257 = vector.shape_cast %get3A_256 : vector<1x1x16xf32> to vector<16xf32>
      %add3A_258 = arith.addf %scan3A_203, %get3A_257 : vector<16xf32>
      scf.yield %add3A_209, %add3A_216, %add3A_223, %add3A_230, %add3A_237, %add3A_244, %add3A_251, %add3A_258 : vector<16xf32>, vector<16xf32>, vector<16xf32>, vector<16xf32>, vector<16xf32>, vector<16xf32>, vector<16xf32>, vector<16xf32>
    }
    %scan3A_184 = arith.constant 100 : i32
    %add3A_185 = arith.addf %scan3A_183#0, %scan3A_183#1 : vector<16xf32>
    %add3A_186 = arith.addf %add3A_185, %scan3A_183#2 : vector<16xf32>
    %add3A_187 = arith.addf %add3A_186, %scan3A_183#3 : vector<16xf32>
    %add3A_188 = arith.addf %add3A_187, %scan3A_183#4 : vector<16xf32>
    %add3A_189 = arith.addf %add3A_188, %scan3A_183#5 : vector<16xf32>
    %add3A_190 = arith.addf %add3A_189, %scan3A_183#6 : vector<16xf32>
    %add3A_191 = arith.addf %add3A_190, %scan3A_183#7 : vector<16xf32>
    %swap3A = arith.constant 0 : index
    %swap3A_192 = tpu.vector_load %arg7[%swap3A] {strides = array<i32>} : memref<16xf32, #tpu.memory_space<vmem>>, vector<16xf32>,
    %swap3A_193 = vector.shape_cast %swap3A_192 : vector<16xf32> to vector<16xf32>
    %swap3A_194 = vector.shape_cast %add3A_191 : vector<16xf32> to vector<16xf32>
    tpu.vector_store %arg7[%swap3A], %swap3A_194 {strides = array<i32>} : memref<16xf32, #tpu.memory_space<vmem>>, vector<16xf32>,
    "tpu.region"() ({
      %run_scoped3A = tpu.sem_alloc : memref<!tpu.dma_semaphore, #tpu.memory_space<semaphore_mem>>
      %dma_start3A_195 = arith.constant 0 : i32
      %dma_start3A_196 = tpu.memref_slice %arg4[%add3A, %dma_start3A_195] : memref<32x16xf32, #tpu.memory_space<hbm>> -> memref<1x16xf32, #tpu.memory_space<hbm>>
      %dma_start3A_197 = tpu.memref_squeeze %dma_start3A_196 : memref<1x16xf32, #tpu.memory_space<hbm>> -> memref<16xf32, #tpu.memory_space<hbm>>
      %dma_start3A_198 = arith.constant 0 : i32
      %dma_start3A_199 = tpu.memref_slice %arg4[%add3A, %dma_start3A_198] : memref<32x16xf32, #tpu.memory_space<hbm>> -> memref<1x16xf32, #tpu.memory_space<hbm>>
      %dma_start3A_200 = tpu.memref_squeeze %dma_start3A_199 : memref<1x16xf32, #tpu.memory_space<hbm>> -> memref<16xf32, #tpu.memory_space<hbm>>
      tpu.enqueue_dma source(%arg7 : memref<16xf32, #tpu.memory_space<vmem>>) target(%dma_start3A_200 : memref<16xf32, #tpu.memory_space<hbm>>) target_semaphore(%run_scoped3A : memref<!tpu.dma_semaphore, #tpu.memory_space<semaphore_mem>>)
      %dma_wait3A_201 = arith.constant 0 : i32
      %dma_wait3A_202 = tpu.memref_slice %arg4[%add3A, %dma_wait3A_201] : memref<32x16xf32, #tpu.memory_space<hbm>> -> memref<1x16xf32, #tpu.memory_space<hbm>>
      %dma_wait3A_203 = tpu.memref_squeeze %dma_wait3A_202 : memref<1x16xf32, #tpu.memory_space<hbm>> -> memref<16xf32, #tpu.memory_space<hbm>>
      %dma_wait3A_204 = arith.constant 0 : i32
      %dma_wait3A_205 = tpu.memref_slice %arg4[%add3A, %dma_wait3A_204] : memref<32x16xf32, #tpu.memory_space<hbm>> -> memref<1x16xf32, #tpu.memory_space<hbm>>
      %dma_wait3A_206 = tpu.memref_squeeze %dma_wait3A_205 : memref<1x16xf32, #tpu.memory_space<hbm>> -> memref<16xf32, #tpu.memory_space<hbm>>
      tpu.wait_dma2 semaphore(%run_scoped3A : memref<!tpu.dma_semaphore, #tpu.memory_space<semaphore_mem>>) src(%arg7 : memref<16xf32, #tpu.memory_space<vmem>>) dst(%dma_wait3A_206 : memref<16xf32, #tpu.memory_space<hbm>>)
      tpu.yield
    }) : () -> ()
    return
  }
}

</mosaic_0001>

<sc_bundles>
// kernel: kernel.3.cloned.1.call-start
scs
__scs_entry_jumppad:
0x0: {  	(pc) =	sbr.rel $0x88, $3  }
0x1: {  	(tag) =	ssettag $0x0;
	lr =	simm.s32 $0x1  }
0x2: {  	[smem:$0x3F9F] =	sst lr;
	_ =	strace $0xD0000000  }
0x3: {  	_ = 	snop  }
0x4: {  	_ = 	snop  }
0x5: {  	_ = 	snop  }
0x6: {  	_ = 	snop  }
0x7: {  	_ = 	snop  }
__scs_overlays_trampoline_lowered:
0x8: {  	[smem:$0x3FAE] =	sst s0  }
0x9: {  	[smem:$0x3FAF] =	sst s1  }
0xa: {  	[smem:$0x3FB0] =	sst s2  }
0xb: {  	[smem:$0x3FB1] =	sst s3  }
0xc: {  	[smem:$0x3FB2] =	sst s4  }
0xd: {  	[smem:$0x3FB3] =	sst s5  }
0xe: {  	[smem:$0x3FB4] =	sst s6  }
0xf: {  	[smem:$0x3FB5] =	sst s7  }
0x10: {  	[smem:$0x3FB6] =	sst s8  }
0x11: {  	[smem:$0x3FB7] =	sst s9;
	s0 =	simm.s32 @!p0 $0x0  }
0x12: {  	s1 =	sld [smem:$0x3F9D];
	s0 =	simm.s32 @p0 $0x1  }
0x13: {  	[smem:$0x3FB8] =	sst s0;
	s0 =	simm.s32 @!p1 $0x0  }
0x14: {  	s2 =	sld [smem:$0x3F9C];
	s0 =	simm.s32 @p1 $0x1  }
0x15: {  	[smem:$0x3FB9] =	sst s0;
	s0 =	simm.s32 @!p2 $0x0  }
0x16: {  	s3 =	sld [smem:$0x3FDB];
	s0 =	simm.s32 @p2 $0x1  }
0x17: {  	s4 =	simm.s32 $0x1BF5;
	[smem:$0x3FBB] =	sst s0  }
0x18: {  	s0 =	sld [smem:$0x3F9E];
	_ =	swait.ge [sflag:s4], $0x0  }
0x19: {  	s7 =	sld [smem:$0x3F9F]  }
0x1a: {  	s8 =	sadd.s32 $0xFFFFE003, lr  }
0x1b: {  	s9 =	sadd.s32 $0xFFFFFEF7, lr;
	s5 =	simm.s32 $0xFFFFFFFF;
	p2 =	slt.u32 s8, $0xFFFFF086  }
0x1c: {  	p1 =	slt.u32 s9, $0xF7A;
	s5 =	simm.s32 @!p2 $0x0  }
0x1d: {  	s5 =	simm.s32 @p1 $0x1;
	p0 =	seq.s32 s7, s2  }
0x1e: {  	s7 =	smul.u32 @!p0 $0xF7A, s2;
	p2 =	seq.s32 @!p0 s5, $0x0  }
0x1f: {  	s9 =	smul.u32 $0xF7A, s1;
	s8 =	simm.s32 @!p0 $0x1BF5;
	p2 =	por !p2, p0  }
0x20: {  	[sflag:s8] =	ssyncset.s32 @!p0 $0xFFFFF086;
	s6 =	sadd.s32 @!p0 s3, s7;
	s7 =	simm.s32 @!p0 $0x108  }
0x21: {  	s3 =	sadd.s32 s3, s9;
	s6 =	sadd.s32 @!p0 $0x88, s6;
	s7 =	simm.s32 @p2 $0x1082  }
0x22: {  	[simem:s7], [sflag:s8] =	dma.local @!p0 [hbm:s6], $0xF7A  }
0x23: {  	s9 =	sor.u32 $0xD0000000, s2;
	s6 =	simm.s32 $0x108;
	_ =	swait.ge @!p0 [sflag:s8], $0x0  }
0x24: {  	s3 =	sadd.s32 $0x88, s3;
	s6 =	simm.s32 @!p1 $0x1082;
	[sflag:s4] =	ssyncset.s32 $0xFFFFF086  }
0x25: {  	[simem:s6], [sflag:s4] =	dma.local [hbm:s3], $0xF7A  }
0x26: {  	[smem:$0x3F9F] =	sst s1;
	(tag) =	ssettag s2;
	_ =	strace s9  }
0x27: {  	s1 =	sld [smem:$0x3FAF]  }
0x28: {  	s2 =	sld [smem:$0x3FB0]  }
0x29: {  	s4 =	sld [smem:$0x3FB2]  }
0x2a: {  	p0 =	seq.s32 s5, $0x0;
	s5 =	sld [smem:$0x3FB3]  }
0x2b: {  	s6 =	sld [smem:$0x3FB4]  }
0x2c: {  	s7 =	sld [smem:$0x3FB5]  }
0x2d: {  	s3 =	simm.s32 $0x108;
	s8 =	sld [smem:$0x3FB6]  }
0x2e: {  	s3 =	simm.s32 @!p0 $0x1082;
	s9 =	sld [smem:$0x3FB7]  }
0x2f: {  	lr =	sadd.s32 s0, s3;
	s0 =	sld [smem:$0x3FAE]  }
0x30: {  	s3 =	sld [smem:$0x3FB1]  }
0x31: {  	[smem:$0x3FBA] =	sst s10  }
0x32: {  	s10 =	sld [smem:$0x3FB8];
	_ =	sdelay $0x3  }
0x33: {  	p0 =	seq.s32 s10, $0x1;
	s10 =	sld [smem:$0x3FBA];
	_ =	sdelay $0x3  }
0x34: {  	[smem:$0x3FBA] =	sst s10  }
0x35: {  	s10 =	sld [smem:$0x3FB9];
	_ =	sdelay $0x3  }
0x36: {  	p1 =	seq.s32 s10, $0x1;
	s10 =	sld [smem:$0x3FBA];
	_ =	sdelay $0x3  }
0x37: {  	[smem:$0x3FBA] =	sst s10  }
0x38: {  	s10 =	sld [smem:$0x3FBB]  }
0x39: {  	_ = 	snop;
	(pc) =	sbr.ind lr, $3  }
0x3a: {  	_ = 	snop  }
0x3b: {  	_ = 	snop  }
0x3c: {  	p2 =	seq.s32 s10, $0x1;
	s10 =	sld [smem:$0x3FBA]  }
0x3d: {  	_ =	shalt  }
0x3e: {  	_ =	shalt  }
0x3f: {  	_ =	shalt  }
0x40: {  	_ =	shalt  }
0x41: {  	_ =	shalt  }
0x42: {  	_ =	shalt  }
0x43: {  	_ =	shalt  }
0x44: {  	_ =	shalt  }
0x45: {  	_ =	shalt  }
0x46: {  	_ =	shalt  }
0x47: {  	_ =	shalt  }
0x48: {  	_ =	shalt  }
0x49: {  	_ =	shalt  }
0x4a: {  	_ =	shalt  }
0x4b: {  	_ =	shalt  }
0x4c: {  	_ =	shalt  }
0x4d: {  	_ =	shalt  }
0x4e: {  	_ =	shalt  }
0x4f: {  	_ =	shalt  }
0x50: {  	_ =	shalt  }
0x51: {  	_ =	shalt  }
0x52: {  	_ =	shalt  }
0x53: {  	_ =	shalt  }
0x54: {  	_ =	shalt  }
0x55: {  	_ =	shalt  }
0x56: {  	_ =	shalt  }
0x57: {  	_ =	shalt  }
0x58: {  	_ =	shalt  }
0x59: {  	_ =	shalt  }
0x5a: {  	_ =	shalt  }
0x5b: {  	_ =	shalt  }
0x5c: {  	_ =	shalt  }
0x5d: {  	_ =	shalt  }
0x5e: {  	_ =	shalt  }
0x5f: {  	_ =	shalt  }
0x60: {  	_ =	shalt  }
0x61: {  	_ =	shalt  }
0x62: {  	_ =	shalt  }
0x63: {  	_ =	shalt  }
0x64: {  	_ =	shalt  }
0x65: {  	_ =	shalt  }
0x66: {  	_ =	shalt  }
0x67: {  	_ =	shalt  }
0x68: {  	_ =	shalt  }
0x69: {  	_ =	shalt  }
0x6a: {  	_ =	shalt  }
0x6b: {  	_ =	shalt  }
0x6c: {  	_ =	shalt  }
0x6d: {  	_ =	shalt  }
0x6e: {  	_ =	shalt  }
0x6f: {  	_ =	shalt  }
0x70: {  	_ =	shalt  }
0x71: {  	_ =	shalt  }
0x72: {  	_ =	shalt  }
0x73: {  	_ =	shalt  }
0x74: {  	_ =	shalt  }
0x75: {  	_ =	shalt  }
0x76: {  	_ =	shalt  }
0x77: {  	_ =	shalt  }
0x78: {  	_ =	shalt  }
0x79: {  	_ =	shalt  }
0x7a: {  	_ =	shalt  }
0x7b: {  	_ =	shalt  }
0x7c: {  	_ =	shalt  }
0x7d: {  	_ =	shalt  }
0x7e: {  	_ =	shalt  }
0x7f: {  	_ =	shalt  }
0x80: {  	_ =	shalt  }
0x81: {  	_ =	shalt  }
0x82: {  	_ =	shalt  }
0x83: {  	_ =	shalt  }
0x84: {  	_ =	shalt  }
0x85: {  	_ =	shalt  }
0x86: {  	_ =	shalt  }
0x87: {  	_ =	shalt  }
.Lfunc_end0:
.L_simem_size_0:
called_computation_lowered:
.L_overlay_start_0:
0x88: {  	s2 =	sld [smem:$0x3FD9]  }
0x89: {  	s3 =	sld [smem:$0x3FFE];
	_ =	sdelay $0x1  }
0x8a: {  	s1 =	srdreg.scid  }
0x8b: {  	s0 =	sand.u32 $0x1, s1  }
0x8c: {  	s17 =	sshll.u32 s0, $0xA;
	s2 =	sadd.s32 s3, s2  }
0x8d: {  	s2 =	sadd.s32 s2, s17  }
0x8e: {  	[smem:$0x3FC6] =	sst s2  }
0x8f: {  	_ = 	snop  }
0x90: {  	s2 =	sld [smem:$0x3FC9]  }
0x91: {  	s18 =	sld [smem:$0x3FC8];
	(tm) =	ssettm $0x1  }
0x92: {  	s4 =	sld [smem:$0x3FFB];
	_ =	sdelay $0x3  }
0x93: {  	_ =	strace s4  }
0x94: {  	s4 =	sld [smem:$0x3FFC];
	_ =	sdelay $0x3  }
0x95: {  	_ =	strace s4  }
0x96: {  	s4 =	sld [smem:$0x3FFD];
	_ =	sdelay $0x3  }
0x97: {  	_ =	strace s4  }
0x98: {  	_ =	strace $0x8FFFFFFF  }
0x99: {  	s19 =	sld [smem:$0x3FDB];
	_ =	sdelay $0x1  }
0x9a: {  	s5 =	simm.s32 $_scs_section_size  }
0x9b: {  	s6 =	simm.s32 $_size__tile_overlayer_lowered;
	s7 =	simm.s32 $_tile_overlayer_lowered  }
0x9c: {  	s22 =	simm.s32 $0x1BFF;
	s21 =	sshll.u32 s7, $0x1;
	s4 =	sadd.s32 s5, s19  }
0x9d: {  	s8 =	simm.s32 $0x0;
	s20 =	sshll.u32 s6, $0x1;
	s6 =	sadd.s32 s21, s4  }
0x9e: {  	[timem:s8], [sflag:s22] =	dma.local [hbm:s6], s20  }
0x9f: {  	_ =	swait.ge [sflag:s22], s20  }
0xa0: {  	s5 =	ssub.s32 $0x0, s20;
	[sflag:s22] =	ssyncset.done $0x0  }
0xa1: {  	[sflag:s22] =	ssyncadd.s32 s5;
	_ =	sdelay $0x1  }
0xa2: {  	s23 =	simm.s32 $0x1B8B  }
0xa3: {  	_ =	swait.ge [sflag:s23], $0x1  }
0xa4: {  	[sflag:s23] =	ssyncset.done $0x0  }
0xa5: {  	s25 =	simm.s32 $0x1B8E;
	s24 =	sld [smem:$0x3FFE];
	[sflag:s23] =	ssyncadd.s32 $0xFFFFFFFF  }
0xa6: {  	s26 =	simm.s32 $execute0_lowered;
	[smem:$0x3FD2] =	sst s25  }
0xa7: {  	s6 =	sshll.u32 s26, $0x1;
	_ =	strace $0x80000046;
	[dreg:$0x1] =	wrdreg $0xFFFFFFFF  }
0xa8: {  	s28 =	simm.s32 $_size_execute0_lowered;
	s4 =	sadd.s32 s4, s6;
	[dreg:$0x0] =	wrdreg $0x0  }
0xa9: {  	s6 =	sshll.u32 s28, $0x1;
	[dreg:$0x2] =	wrdreg s4  }
0xaa: {  	[dreg:$0x3] =	wrdreg s6  }
0xab: {  	[dreg:$0x4] =	wrdreg $0xC0  }
0xac: {  	_ =	task [dreg:s8], $0x5FFFF  }
0xad: {  	[dreg:$0x1] =	wrdreg $0xFFFFFFFF  }
0xae: {  	[dreg:$0x0] =	wrdreg $0x60  }
0xaf: {  	[dreg:$0x2] =	wrdreg s2  }
0xb0: {  	[dreg:$0x3] =	wrdreg s18  }
0xb1: {  	[dreg:$0x4] =	wrdreg s24  }
0xb2: {  	[dreg:$0x5] =	wrdreg $0x9  }
0xb3: {  	_ =	task.clear_ibuf [dreg:s8], $0x6FFFF;
	_ =	strace $0x90000046  }
0xb4: {  	s29 =	simm.s32 $0x9;
	_ =	strace $0x80000048  }
0xb5: {  	_ =	swait.ge [sflag:s29], $0x1  }
0xb6: {  	[sflag:s29] =	ssyncadd.s32 $0xFFFFFFFF  }
0xb7: {  	_ =	strace $0x90000048  }
0xb8: {  	_ =	sfence  }
0xb9: {  	s30 =	sld [smem:$0x0];
	_ =	sdelay $0x2  }
0xba: {  	s31 =	sshll.u32 s1, $0xD;
	s1 =	sshrl.u32 s1, $0x2  }
0xbb: {  	s3 =	sand.u32 $0x4000, s31;
	s1 =	sadd.s32 s1, s30  }
0xbc: {  	s0 =	sor.u32 s3, s0;
	s1 =	sshll.u32 s1, $0x11  }
0xbd: {  	s0 =	sor.u32 s1, s0  }
0xbe: {  	s0 =	sadd.s32 $0x8F2B, s0  }
0xbf: {  	[sflag:s0] =	ssyncadd.remote.s32 $0x1  }
0xc0: {  	_ =	sfence.sel $0xFFFF  }
0xc1: {  	[dreg:$0x0] =	wrdreg $0xFFFFFFFF;
	(pc) =	sbr.abs _section_cstart, $3  }
0xc2: {  	[dreg:$0x1] =	wrdreg $0xFFFFFFFF  }
0xc3: {  	_ =	task.clear_ibuf [dreg:s8], $0x2FFFF;
	_ =	strace $0x9FFFFFFF  }
0xc4: {  	(tm) =	ssettm $0x7FFFFFFF  }
0xc5: {  	_ =	shalt  }
tec
execute0_lowered:
.L_overlay_start_1:
0x0: {  	(tag) =	ssettag $0x1  }
0x1: {  	s0 =	rddreg [dreg:$0x0]  }
0x2: {  	s2 =	rddreg [dreg:$0x1];
	s1 =	srdreg.scid  }
0x3: {  	s3 =	stileid.u32;
	s8 =	rddreg [dreg:$0x2]  }
0x4: {  	s11 =	simm.s32 $0x80;
	s13 =	simm.s32 $0x2;
	s15 =	simm.s32 $0x3  }
0x5: {  	s17 =	simm.s32 $0x4;
	s19 =	simm.s32 $0x5;
	s21 =	simm.s32 $0x6  }
0x6: {  	s22 =	simm.s32 $0x7;
	s23 =	simm.s32 $0x8;
	s25 =	simm.s32 $0x9  }
0x7: {  	s26 =	simm.s32 $0x0;
	s1 =	sand.u32 $0x1, s1;
	s3 =	sshll.u32 s3, $0x1  }
0x8: {  	s9 =	sor.u32 s1, s3;
	s3 =	simm.s32 $0x0;
	s1 =	ssub.s32 $0x2, s1  }
0x9: {  	s4 =	sshll.u32 s9, $0x9;
	[smem:$0x7FF] =	sst s3;
	s5 =	sshrl.u32 s1, $0x1  }
0xa: {  	s31 =	sshll.u32 s9, $0x4;
	s4 =	sadd.s32 s0, s4;
	_ =	strace $0x80000047  }
0xb: {  	s30 =	ssub.s32 s1, s5;
	s1 =	sadd.s32 s8, s31;
	s5 =	sadd.s32 $0x80, s4  }
0xc: {  	s6 =	sadd.s32 $0x100, s4;
	[dreg:$0x4] =	wrdreg s1;
	s0 =	smax.u32 s30, $0x1  }
0xd: {  	s7 =	sadd.s32 $0x180, s4;
	s10 =	sadd.s32 $0x30000, s4;
	[dreg:$0x5] =	wrdreg s0  }
0xe: {  	s12 =	sadd.s32 $0x10, s10;
	s14 =	sadd.s32 $0x20, s10;
	s18 =	sadd.s32 $0x30000, s5  }
0xf: {  	s16 =	sadd.s32 $0x30, s10;
	s0 =	simm.s32 $0x1;
	s20 =	sadd.s32 $0x10, s18  }
.LBB2_1:
0x10: {  	s1 =	sadd.s32 $0x0, s4;
	s28 =	simm.s32 $0x0  }
0x11: {  	[tilespmem:s28], [sflag:$0x1] =	stream.linear.gather [hbm4b:s1+s3], $0x80, $0x38;
	[tilespmem:$0x19080] =	vst v63  }
0x12: {  	s29 =	simm.s32 $0x200;
	s28 =	sadd.s32 $0x10, s1  }
0x13: {  	[tilespmem:s29], [sflag:$0x1] =	stream.linear.gather [hbm4b:s28+s3], $0x80, $0x38;
	[tilespmem:$0x19080] =	vst v63  }
0x14: {  	s28 =	sadd.s32 $0x20, s1;
	s29 =	simm.s32 $0x400  }
0x15: {  	[tilespmem:s29], [sflag:$0x1] =	stream.linear.gather [hbm4b:s28+s3], $0x80, $0x38;
	[tilespmem:$0x19080] =	vst v63  }
0x16: {  	s28 =	sadd.s32 $0x30, s1;
	s29 =	simm.s32 $0x600  }
0x17: {  	[tilespmem:s29], [sflag:$0x1] =	stream.linear.gather [hbm4b:s28+s3], $0x80, $0x38;
	[tilespmem:$0x19080] =	vst v63  }
0x18: {  	s28 =	sadd.s32 $0x40, s1;
	s29 =	simm.s32 $0x800  }
0x19: {  	[tilespmem:s29], [sflag:$0x1] =	stream.linear.gather [hbm4b:s28+s3], $0x80, $0x38;
	[tilespmem:$0x19080] =	vst v63  }
0x1a: {  	s28 =	sadd.s32 $0x50, s1;
	s29 =	simm.s32 $0xA00  }
0x1b: {  	[tilespmem:s29], [sflag:$0x1] =	stream.linear.gather [hbm4b:s28+s3], $0x80, $0x38;
	[tilespmem:$0x19080] =	vst v63  }
0x1c: {  	s28 =	sadd.s32 $0x60, s1;
	s29 =	simm.s32 $0xC00  }
0x1d: {  	[tilespmem:s29], [sflag:$0x1] =	stream.linear.gather [hbm4b:s28+s3], $0x80, $0x38;
	[tilespmem:$0x19080] =	vst v63  }
0x1e: {  	s28 =	simm.s32 $0x4000;
	s29 =	sadd.s32 $0x70, s1;
	s1 =	simm.s32 $0xE00  }
.LBB2_2:
0x1f: {  	[tilespmem:s1], [sflag:$0x1] =	stream.linear.gather [hbm4b:s29+s3], $0x80, $0x38;
	[tilespmem:$0x19080] =	vst v63  }
0x20: {  	s1 =	sadd.s32 s28, s4;
	s30 =	sshra.s32 s28, $0x2;
	p0 =	seq.s32 s28, $0x2C000  }
0x21: {  	[tilespmem:s30], [sflag:$0x1] =	stream.linear.gather [hbm4b:s1+s3], $0x80, $0x38;
	[tilespmem:$0x19080] =	vst v63  }
0x22: {  	s28 =	sadd.s32 $0x4000, s28;
	s29 =	sadd.s32 $0x10, s1;
	s31 =	sadd.s32 $0x200, s30  }
0x23: {  	[tilespmem:s31], [sflag:$0x1] =	stream.linear.gather [hbm4b:s29+s3], $0x80, $0x38;
	[tilespmem:$0x19080] =	vst v63  }
0x24: {  	s29 =	sadd.s32 $0x20, s1;
	s31 =	sadd.s32 $0x400, s30  }
0x25: {  	[tilespmem:s31], [sflag:$0x1] =	stream.linear.gather [hbm4b:s29+s3], $0x80, $0x38;
	[tilespmem:$0x19080] =	vst v63  }
0x26: {  	s29 =	sadd.s32 $0x30, s1;
	s31 =	sadd.s32 $0x600, s30  }
0x27: {  	[tilespmem:s31], [sflag:$0x1] =	stream.linear.gather [hbm4b:s29+s3], $0x80, $0x38;
	[tilespmem:$0x19080] =	vst v63  }
0x28: {  	s29 =	sadd.s32 $0x40, s1;
	s31 =	sadd.s32 $0x800, s30  }
0x29: {  	[tilespmem:s31], [sflag:$0x1] =	stream.linear.gather [hbm4b:s29+s3], $0x80, $0x38;
	[tilespmem:$0x19080] =	vst v63  }
.Ltmp0:
0x2a: {  	s29 =	sadd.s32 $0x50, s1;
	s31 =	sadd.s32 $0xA00, s30;
	(pc) =	sbr.rel @!p0 .LBB2_2-.Ltmp0, $4  }
0x2b: {  	[tilespmem:s31], [sflag:$0x1] =	stream.linear.gather [hbm4b:s29+s3], $0x80, $0x38;
	[tilespmem:$0x19080] =	vst v63  }
0x2c: {  	s29 =	sadd.s32 $0x60, s1;
	s31 =	sadd.s32 $0xC00, s30  }
0x2d: {  	[tilespmem:s31], [sflag:$0x1] =	stream.linear.gather [hbm4b:s29+s3], $0x80, $0x38;
	[tilespmem:$0x19080] =	vst v63  }
0x2e: {  	s29 =	sadd.s32 $0x70, s1;
	s1 =	sadd.s32 $0xE00, s30  }
0x2f: {  	[tilespmem:s1], [sflag:$0x1] =	stream.linear.gather [hbm4b:s29+s3], $0x80, $0x38;
	[tilespmem:$0x19080] =	vst v63  }
0x30: {  	s1 =	simm.s32 $0x0;
	s8 =	simm.s32 $0xC000  }
0x31: {  	[tilespmem:s8], [sflag:$0x1] =	stream.linear.gather [hbm4b:s10+s1], $0x80, $0x38;
	[tilespmem:$0x19080] =	vst v63  }
0x32: {  	s9 =	simm.s32 $0xC200  }
0x33: {  	[tilespmem:s9], [sflag:$0x1] =	stream.linear.gather [hbm4b:s12+s1], $0x80, $0x38;
	[tilespmem:$0x19080] =	vst v63  }
0x34: {  	s24 =	simm.s32 $0xC400  }
0x35: {  	[tilespmem:s24], [sflag:$0x1] =	stream.linear.gather [hbm4b:s14+s1], $0x80, $0x38;
	[tilespmem:$0x19080] =	vst v63  }
0x36: {  	s9 =	simm.s32 $0xC600  }
0x37: {  	[tilespmem:s9], [sflag:$0x1] =	stream.linear.gather [hbm4b:s16+s1], $0x80, $0x38;
	[tilespmem:$0x19080] =	vst v63  }
0x38: {  	s28 =	simm.s32 $0x80;
	s24 =	sadd.s32 $0x0, s5  }
0x39: {  	[tilespmem:s28], [sflag:$0x2] =	stream.linear.gather [hbm4b:s24+s3], $0x80, $0x38;
	[tilespmem:$0x19080] =	vst v63  }
0x3a: {  	s29 =	simm.s32 $0x280;
	s28 =	sadd.s32 $0x10, s24  }
0x3b: {  	[tilespmem:s29], [sflag:$0x2] =	stream.linear.gather [hbm4b:s28+s3], $0x80, $0x38;
	[tilespmem:$0x19080] =	vst v63  }
0x3c: {  	s28 =	sadd.s32 $0x20, s24;
	s29 =	simm.s32 $0x480  }
0x3d: {  	[tilespmem:s29], [sflag:$0x2] =	stream.linear.gather [hbm4b:s28+s3], $0x80, $0x38;
	[tilespmem:$0x19080] =	vst v63  }
0x3e: {  	s28 =	sadd.s32 $0x30, s24;
	s29 =	simm.s32 $0x680  }
0x3f: {  	[tilespmem:s29], [sflag:$0x2] =	stream.linear.gather [hbm4b:s28+s3], $0x80, $0x38;
	[tilespmem:$0x19080] =	vst v63  }
0x40: {  	s28 =	sadd.s32 $0x40, s24;
	s29 =	simm.s32 $0x880  }
0x41: {  	[tilespmem:s29], [sflag:$0x2] =	stream.linear.gather [hbm4b:s28+s3], $0x80, $0x38;
	[tilespmem:$0x19080] =	vst v63  }
0x42: {  	s30 =	simm.s32 $0x8000;
	s28 =	sadd.s32 $0x50, s24;
	s29 =	simm.s32 $0xA80  }
0x43: {  	[tilespmem:s29], [sflag:$0x2] =	stream.linear.gather [hbm4b:s28+s3], $0x80, $0x38;
	[tilespmem:$0x19080] =	vst v63  }
0x44: {  	s31 =	sadd.s32 $0x70, s24;
	s28 =	sadd.s32 $0x60, s24;
	s29 =	simm.s32 $0xC80  }
0x45: {  	[tilespmem:s29], [sflag:$0x2] =	stream.linear.gather [hbm4b:s28+s3], $0x80, $0x38;
	[tilespmem:$0x19080] =	vst v63  }
0x46: {  	s1 =	simm.s32 $0xE80;
	s29 =	simm.s32 $0x4000;
	s28 =	simm.s32 $0x1000  }
.LBB2_4:
0x47: {  	[tilespmem:s1], [sflag:$0x2] =	stream.linear.gather [hbm4b:s31+s3], $0x80, $0x38;
	[tilespmem:$0x19080] =	vst v63  }
0x48: {  	s1 =	smov.u32 s30  }
0x49: {  	s24 =	sshra.s32 s30, $0x2;
	s31 =	sadd.s32 s29, s5;
	s29 =	sadd.s32 $0x80, s28  }
0x4a: {  	[tilespmem:s29], [sflag:$0x2] =	stream.linear.gather [hbm4b:s31+s3], $0x80, $0x38;
	[tilespmem:$0x19080] =	vst v63  }
0x4b: {  	s8 =	sadd.s32 $0x4000, s30;
	s9 =	sadd.s32 $0x280, s28;
	s29 =	sadd.s32 $0x10, s31  }
0x4c: {  	[tilespmem:s9], [sflag:$0x2] =	stream.linear.gather [hbm4b:s29+s3], $0x80, $0x38;
	[tilespmem:$0x19080] =	vst v63  }
0x4d: {  	p0 =	seq.s32 s30, $0x2C000;
	s9 =	sadd.s32 $0x20, s31;
	s29 =	sadd.s32 $0x480, s28  }
0x4e: {  	[tilespmem:s29], [sflag:$0x2] =	stream.linear.gather [hbm4b:s9+s3], $0x80, $0x38;
	[tilespmem:$0x19080] =	vst v63  }
0x4f: {  	s30 =	sadd.s32 $0x680, s28;
	s9 =	sadd.s32 $0x30, s31;
	s29 =	smov.u32 s1  }
0x50: {  	[tilespmem:s30], [sflag:$0x2] =	stream.linear.gather [hbm4b:s9+s3], $0x80, $0x38;
	[tilespmem:$0x19080] =	vst v63  }
0x51: {  	s1 =	sadd.s32 $0x40, s31;
	s9 =	sadd.s32 $0x880, s28  }
0x52: {  	[tilespmem:s9], [sflag:$0x2] =	stream.linear.gather [hbm4b:s1+s3], $0x80, $0x38;
	[tilespmem:$0x19080] =	vst v63  }
.Ltmp1:
0x53: {  	s1 =	sadd.s32 $0x50, s31;
	s9 =	sadd.s32 $0xA80, s28;
	(pc) =	sbr.rel @!p0 .LBB2_4-.Ltmp1, $4  }
0x54: {  	[tilespmem:s9], [sflag:$0x2] =	stream.linear.gather [hbm4b:s1+s3], $0x80, $0x38;
	[tilespmem:$0x19080] =	vst v63  }
0x55: {  	s30 =	smov.u32 s8;
	s1 =	sadd.s32 $0x60, s31;
	s9 =	sadd.s32 $0xC80, s28  }
0x56: {  	[tilespmem:s9], [sflag:$0x2] =	stream.linear.gather [hbm4b:s1+s3], $0x80, $0x38;
	[tilespmem:$0x19080] =	vst v63  }
0x57: {  	s31 =	sadd.s32 $0x70, s31;
	s1 =	sadd.s32 $0xE80, s28;
	s28 =	smov.u32 s24  }
0x58: {  	[tilespmem:s1], [sflag:$0x2] =	stream.linear.gather [hbm4b:s31+s3], $0x80, $0x38;
	[tilespmem:$0x19080] =	vst v63  }
0x59: {  	s1 =	sadd.s32 s29, s5;
	s8 =	sadd.s32 $0x80, s28  }
0x5a: {  	[tilespmem:s8], [sflag:$0x2] =	stream.linear.gather [hbm4b:s1+s3], $0x80, $0x38;
	[tilespmem:$0x19080] =	vst v63  }
0x5b: {  	s9 =	sadd.s32 $0x280, s28;
	s24 =	sadd.s32 $0x10, s1  }
0x5c: {  	[tilespmem:s9], [sflag:$0x2] =	stream.linear.gather [hbm4b:s24+s3], $0x80, $0x38;
	[tilespmem:$0x19080] =	vst v63  }
0x5d: {  	s9 =	sadd.s32 $0x20, s1;
	s24 =	sadd.s32 $0x480, s28  }
0x5e: {  	[tilespmem:s24], [sflag:$0x2] =	stream.linear.gather [hbm4b:s9+s3], $0x80, $0x38;
	[tilespmem:$0x19080] =	vst v63  }
0x5f: {  	s9 =	sadd.s32 $0x30, s1;
	s24 =	sadd.s32 $0x680, s28  }
0x60: {  	[tilespmem:s24], [sflag:$0x2] =	stream.linear.gather [hbm4b:s9+s3], $0x80, $0x38;
	[tilespmem:$0x19080] =	vst v63  }
0x61: {  	s9 =	sadd.s32 $0x40, s1;
	s24 =	sadd.s32 $0x880, s28  }
0x62: {  	[tilespmem:s24], [sflag:$0x2] =	stream.linear.gather [hbm4b:s9+s3], $0x80, $0x38;
	[tilespmem:$0x19080] =	vst v63  }
0x63: {  	s9 =	sadd.s32 $0x50, s1;
	s24 =	sadd.s32 $0xA80, s28  }
0x64: {  	[tilespmem:s24], [sflag:$0x2] =	stream.linear.gather [hbm4b:s9+s3], $0x80, $0x38;
	[tilespmem:$0x19080] =	vst v63  }
0x65: {  	s9 =	sadd.s32 $0x60, s1;
	s24 =	sadd.s32 $0xC80, s28  }
0x66: {  	[tilespmem:s24], [sflag:$0x2] =	stream.linear.gather [hbm4b:s9+s3], $0x80, $0x38;
	[tilespmem:$0x19080] =	vst v63  }
0x67: {  	s1 =	sadd.s32 $0x70, s1;
	s9 =	sadd.s32 $0xE80, s28  }
0x68: {  	[tilespmem:s9], [sflag:$0x2] =	stream.linear.gather [hbm4b:s1+s3], $0x80, $0x38;
	[tilespmem:$0x19080] =	vst v63  }
0x69: {  	s24 =	simm.s32 $0xC080;
	s1 =	simm.s32 $0x0  }
0x6a: {  	[tilespmem:s24], [sflag:$0x2] =	stream.linear.gather [hbm4b:s18+s1], $0x80, $0x38;
	[tilespmem:$0x19080] =	vst v63  }
0x6b: {  	s9 =	simm.s32 $0xC280  }
0x6c: {  	[tilespmem:s9], [sflag:$0x2] =	stream.linear.gather [hbm4b:s20+s1], $0x80, $0x38;
	[tilespmem:$0x19080] =	vst v63  }
0x6d: {  	s28 =	sadd.s32 $0x20, s18;
	s24 =	simm.s32 $0xC480  }
0x6e: {  	[tilespmem:s24], [sflag:$0x2] =	stream.linear.gather [hbm4b:s28+s1], $0x80, $0x38;
	[tilespmem:$0x19080] =	vst v63  }
0x6f: {  	s9 =	simm.s32 $0xC680;
	s28 =	sadd.s32 $0x30, s18  }
0x70: {  	[tilespmem:s9], [sflag:$0x2] =	stream.linear.gather [hbm4b:s28+s1], $0x80, $0x38;
	[tilespmem:$0x19080] =	vst v63  }
0x71: {  	s24 =	simm.s32 $0x100;
	s1 =	sadd.s32 $0x0, s6  }
0x72: {  	[tilespmem:s24], [sflag:$0x3] =	stream.linear.gather [hbm4b:s1+s3], $0x80, $0x38;
	[tilespmem:$0x19080] =	vst v63  }
0x73: {  	s9 =	sadd.s32 $0x10, s1;
	s24 =	simm.s32 $0x300  }
0x74: {  	[tilespmem:s24], [sflag:$0x3] =	stream.linear.gather [hbm4b:s9+s3], $0x80, $0x38;
	[tilespmem:$0x19080] =	vst v63  }
0x75: {  	s29 =	simm.s32 $0x4000;
	s9 =	sadd.s32 $0x20, s1;
	s24 =	simm.s32 $0x500  }
0x76: {  	[tilespmem:s24], [sflag:$0x3] =	stream.linear.gather [hbm4b:s9+s3], $0x80, $0x38;
	[tilespmem:$0x19080] =	vst v63  }
0x77: {  	s30 =	simm.s32 $0x8000;
	s9 =	sadd.s32 $0x30, s1;
	s24 =	simm.s32 $0x700  }
0x78: {  	[tilespmem:s24], [sflag:$0x3] =	stream.linear.gather [hbm4b:s9+s3], $0x80, $0x38;
	[tilespmem:$0x19080] =	vst v63  }
0x79: {  	s28 =	simm.s32 $0x1000;
	s9 =	sadd.s32 $0x40, s1;
	s24 =	simm.s32 $0x900  }
0x7a: {  	[tilespmem:s24], [sflag:$0x3] =	stream.linear.gather [hbm4b:s9+s3], $0x80, $0x38;
	[tilespmem:$0x19080] =	vst v63  }
0x7b: {  	s31 =	sadd.s32 $0x70, s1;
	s9 =	sadd.s32 $0x50, s1;
	s24 =	simm.s32 $0xB00  }
0x7c: {  	[tilespmem:s24], [sflag:$0x3] =	stream.linear.gather [hbm4b:s9+s3], $0x80, $0x38;
	[tilespmem:$0x19080] =	vst v63  }
0x7d: {  	s9 =	sadd.s32 $0x60, s1;
	s24 =	simm.s32 $0xD00;
	s1 =	simm.s32 $0xF00  }
0x7e: {  	[tilespmem:s24], [sflag:$0x3] =	stream.linear.gather [hbm4b:s9+s3], $0x80, $0x38;
	[tilespmem:$0x19080] =	vst v63  }
.LBB2_6:
0x7f: {  	[tilespmem:s1], [sflag:$0x3] =	stream.linear.gather [hbm4b:s31+s3], $0x80, $0x38;
	[tilespmem:$0x19080] =	vst v63  }
0x80: {  	s1 =	smov.u32 s30  }
0x81: {  	s8 =	sshra.s32 s30, $0x2;
	s9 =	sadd.s32 s29, s6;
	s24 =	sadd.s32 $0x100, s28  }
0x82: {  	[tilespmem:s24], [sflag:$0x3] =	stream.linear.gather [hbm4b:s9+s3], $0x80, $0x38;
	[tilespmem:$0x19080] =	vst v63  }
0x83: {  	s31 =	sadd.s32 $0x300, s28;
	s29 =	sadd.s32 $0x10, s9;
	s24 =	sadd.s32 $0x4000, s30  }
0x84: {  	[tilespmem:s31], [sflag:$0x3] =	stream.linear.gather [hbm4b:s29+s3], $0x80, $0x38;
	[tilespmem:$0x19080] =	vst v63  }
0x85: {  	p0 =	seq.s32 s30, $0x2C000;
	s30 =	sadd.s32 $0x500, s28;
	s29 =	sadd.s32 $0x20, s9  }
0x86: {  	[tilespmem:s30], [sflag:$0x3] =	stream.linear.gather [hbm4b:s29+s3], $0x80, $0x38;
	[tilespmem:$0x19080] =	vst v63  }
0x87: {  	s31 =	sadd.s32 $0x700, s28;
	s30 =	sadd.s32 $0x30, s9;
	s29 =	smov.u32 s1  }
0x88: {  	[tilespmem:s31], [sflag:$0x3] =	stream.linear.gather [hbm4b:s30+s3], $0x80, $0x38;
	[tilespmem:$0x19080] =	vst v63  }
0x89: {  	s1 =	sadd.s32 $0x40, s9;
	s30 =	sadd.s32 $0x900, s28  }
0x8a: {  	[tilespmem:s30], [sflag:$0x3] =	stream.linear.gather [hbm4b:s1+s3], $0x80, $0x38;
	[tilespmem:$0x19080] =	vst v63  }
.Ltmp2:
0x8b: {  	s1 =	sadd.s32 $0x50, s9;
	s30 =	sadd.s32 $0xB00, s28;
	(pc) =	sbr.rel @!p0 .LBB2_6-.Ltmp2, $4  }
0x8c: {  	[tilespmem:s30], [sflag:$0x3] =	stream.linear.gather [hbm4b:s1+s3], $0x80, $0x38;
	[tilespmem:$0x19080] =	vst v63  }
0x8d: {  	s31 =	sadd.s32 $0x70, s9;
	s1 =	sadd.s32 $0x60, s9;
	s30 =	sadd.s32 $0xD00, s28  }
0x8e: {  	[tilespmem:s30], [sflag:$0x3] =	stream.linear.gather [hbm4b:s1+s3], $0x80, $0x38;
	[tilespmem:$0x19080] =	vst v63  }
0x8f: {  	s1 =	sadd.s32 $0xF00, s28;
	s28 =	smov.u32 s8;
	s30 =	smov.u32 s24  }
0x90: {  	[tilespmem:s1], [sflag:$0x3] =	stream.linear.gather [hbm4b:s31+s3], $0x80, $0x38;
	[tilespmem:$0x19080] =	vst v63  }
0x91: {  	s1 =	sadd.s32 s29, s6;
	s8 =	sadd.s32 $0x100, s28  }
0x92: {  	[tilespmem:s8], [sflag:$0x3] =	stream.linear.gather [hbm4b:s1+s3], $0x80, $0x38;
	[tilespmem:$0x19080] =	vst v63  }
0x93: {  	s9 =	sadd.s32 $0x300, s28;
	s24 =	sadd.s32 $0x10, s1  }
0x94: {  	[tilespmem:s9], [sflag:$0x3] =	stream.linear.gather [hbm4b:s24+s3], $0x80, $0x38;
	[tilespmem:$0x19080] =	vst v63  }
0x95: {  	s9 =	sadd.s32 $0x20, s1;
	s24 =	sadd.s32 $0x500, s28  }
0x96: {  	[tilespmem:s24], [sflag:$0x3] =	stream.linear.gather [hbm4b:s9+s3], $0x80, $0x38;
	[tilespmem:$0x19080] =	vst v63  }
0x97: {  	s9 =	sadd.s32 $0x30, s1;
	s24 =	sadd.s32 $0x700, s28  }
0x98: {  	[tilespmem:s24], [sflag:$0x3] =	stream.linear.gather [hbm4b:s9+s3], $0x80, $0x38;
	[tilespmem:$0x19080] =	vst v63  }
0x99: {  	s9 =	sadd.s32 $0x40, s1;
	s24 =	sadd.s32 $0x900, s28  }
0x9a: {  	[tilespmem:s24], [sflag:$0x3] =	stream.linear.gather [hbm4b:s9+s3], $0x80, $0x38;
	[tilespmem:$0x19080] =	vst v63  }
0x9b: {  	s9 =	sadd.s32 $0x50, s1;
	s24 =	sadd.s32 $0xB00, s28  }
0x9c: {  	[tilespmem:s24], [sflag:$0x3] =	stream.linear.gather [hbm4b:s9+s3], $0x80, $0x38;
	[tilespmem:$0x19080] =	vst v63  }
0x9d: {  	s9 =	sadd.s32 $0x60, s1;
	s24 =	sadd.s32 $0xD00, s28  }
0x9e: {  	[tilespmem:s24], [sflag:$0x3] =	stream.linear.gather [hbm4b:s9+s3], $0x80, $0x38;
	[tilespmem:$0x19080] =	vst v63  }
0x9f: {  	s1 =	sadd.s32 $0x70, s1;
	s9 =	sadd.s32 $0xF00, s28  }
0xa0: {  	[tilespmem:s9], [sflag:$0x3] =	stream.linear.gather [hbm4b:s1+s3], $0x80, $0x38;
	[tilespmem:$0x19080] =	vst v63  }
0xa1: {  	s8 =	simm.s32 $0x0;
	s24 =	simm.s32 $0xC100;
	s1 =	sadd.s32 $0x30000, s6  }
0xa2: {  	[tilespmem:s24], [sflag:$0x3] =	stream.linear.gather [hbm4b:s1+s8], $0x80, $0x38;
	[tilespmem:$0x19080] =	vst v63  }
0xa3: {  	s9 =	sadd.s32 $0x10, s1;
	s24 =	simm.s32 $0xC300  }
0xa4: {  	[tilespmem:s24], [sflag:$0x3] =	stream.linear.gather [hbm4b:s9+s8], $0x80, $0x38;
	[tilespmem:$0x19080] =	vst v63  }
0xa5: {  	s9 =	sadd.s32 $0x20, s1;
	s24 =	simm.s32 $0xC500  }
0xa6: {  	[tilespmem:s24], [sflag:$0x3] =	stream.linear.gather [hbm4b:s9+s8], $0x80, $0x38;
	[tilespmem:$0x19080] =	vst v63  }
0xa7: {  	s1 =	sadd.s32 $0x30, s1;
	s24 =	simm.s32 $0xC700  }
0xa8: {  	[tilespmem:s24], [sflag:$0x3] =	stream.linear.gather [hbm4b:s1+s8], $0x80, $0x38;
	[tilespmem:$0x19080] =	vst v63  }
0xa9: {  	s1 =	sadd.s32 $0x0, s7;
	s24 =	simm.s32 $0x180  }
0xaa: {  	[tilespmem:s24], [sflag:$0x4] =	stream.linear.gather [hbm4b:s1+s3], $0x80, $0x38;
	[tilespmem:$0x19080] =	vst v63  }
0xab: {  	s9 =	sadd.s32 $0x10, s1;
	s24 =	simm.s32 $0x380  }
0xac: {  	[tilespmem:s24], [sflag:$0x4] =	stream.linear.gather [hbm4b:s9+s3], $0x80, $0x38;
	[tilespmem:$0x19080] =	vst v63  }
0xad: {  	s29 =	simm.s32 $0x4000;
	s9 =	sadd.s32 $0x20, s1;
	s24 =	simm.s32 $0x580  }
0xae: {  	[tilespmem:s24], [sflag:$0x4] =	stream.linear.gather [hbm4b:s9+s3], $0x80, $0x38;
	[tilespmem:$0x19080] =	vst v63  }
0xaf: {  	s30 =	simm.s32 $0x8000;
	s9 =	sadd.s32 $0x30, s1;
	s24 =	simm.s32 $0x780  }
0xb0: {  	[tilespmem:s24], [sflag:$0x4] =	stream.linear.gather [hbm4b:s9+s3], $0x80, $0x38;
	[tilespmem:$0x19080] =	vst v63  }
0xb1: {  	s28 =	simm.s32 $0x1000;
	s9 =	sadd.s32 $0x40, s1;
	s24 =	simm.s32 $0x980  }
0xb2: {  	[tilespmem:s24], [sflag:$0x4] =	stream.linear.gather [hbm4b:s9+s3], $0x80, $0x38;
	[tilespmem:$0x19080] =	vst v63  }
0xb3: {  	s31 =	sadd.s32 $0x70, s1;
	s9 =	sadd.s32 $0x50, s1;
	s24 =	simm.s32 $0xB80  }
0xb4: {  	[tilespmem:s24], [sflag:$0x4] =	stream.linear.gather [hbm4b:s9+s3], $0x80, $0x38;
	[tilespmem:$0x19080] =	vst v63  }
0xb5: {  	s9 =	sadd.s32 $0x60, s1;
	s24 =	simm.s32 $0xD80;
	s1 =	simm.s32 $0xF80  }
0xb6: {  	[tilespmem:s24], [sflag:$0x4] =	stream.linear.gather [hbm4b:s9+s3], $0x80, $0x38;
	[tilespmem:$0x19080] =	vst v63  }
.LBB2_8:
0xb7: {  	[tilespmem:s1], [sflag:$0x4] =	stream.linear.gather [hbm4b:s31+s3], $0x80, $0x38;
	[tilespmem:$0x19080] =	vst v63  }
0xb8: {  	s1 =	smov.u32 s30  }
0xb9: {  	s8 =	sshra.s32 s30, $0x2;
	s9 =	sadd.s32 s29, s7;
	s24 =	sadd.s32 $0x180, s28  }
0xba: {  	[tilespmem:s24], [sflag:$0x4] =	stream.linear.gather [hbm4b:s9+s3], $0x80, $0x38;
	[tilespmem:$0x19080] =	vst v63  }
0xbb: {  	s31 =	sadd.s32 $0x380, s28;
	s29 =	sadd.s32 $0x10, s9;
	s24 =	sadd.s32 $0x4000, s30  }
0xbc: {  	[tilespmem:s31], [sflag:$0x4] =	stream.linear.gather [hbm4b:s29+s3], $0x80, $0x38;
	[tilespmem:$0x19080] =	vst v63  }
0xbd: {  	p0 =	seq.s32 s30, $0x2C000;
	s30 =	sadd.s32 $0x580, s28;
	s29 =	sadd.s32 $0x20, s9  }
0xbe: {  	[tilespmem:s30], [sflag:$0x4] =	stream.linear.gather [hbm4b:s29+s3], $0x80, $0x38;
	[tilespmem:$0x19080] =	vst v63  }
0xbf: {  	s31 =	sadd.s32 $0x780, s28;
	s30 =	sadd.s32 $0x30, s9;
	s29 =	smov.u32 s1  }
0xc0: {  	[tilespmem:s31], [sflag:$0x4] =	stream.linear.gather [hbm4b:s30+s3], $0x80, $0x38;
	[tilespmem:$0x19080] =	vst v63  }
0xc1: {  	s1 =	sadd.s32 $0x40, s9;
	s30 =	sadd.s32 $0x980, s28  }
0xc2: {  	[tilespmem:s30], [sflag:$0x4] =	stream.linear.gather [hbm4b:s1+s3], $0x80, $0x38;
	[tilespmem:$0x19080] =	vst v63  }
.Ltmp3:
0xc3: {  	s1 =	sadd.s32 $0x50, s9;
	s30 =	sadd.s32 $0xB80, s28;
	(pc) =	sbr.rel @!p0 .LBB2_8-.Ltmp3, $4  }
0xc4: {  	[tilespmem:s30], [sflag:$0x4] =	stream.linear.gather [hbm4b:s1+s3], $0x80, $0x38;
	[tilespmem:$0x19080] =	vst v63  }
0xc5: {  	s31 =	sadd.s32 $0x70, s9;
	s1 =	sadd.s32 $0x60, s9;
	s30 =	sadd.s32 $0xD80, s28  }
0xc6: {  	[tilespmem:s30], [sflag:$0x4] =	stream.linear.gather [hbm4b:s1+s3], $0x80, $0x38;
	[tilespmem:$0x19080] =	vst v63  }
0xc7: {  	s1 =	sadd.s32 $0xF80, s28;
	s28 =	smov.u32 s8;
	s30 =	smov.u32 s24  }
0xc8: {  	[tilespmem:s1], [sflag:$0x4] =	stream.linear.gather [hbm4b:s31+s3], $0x80, $0x38;
	[tilespmem:$0x19080] =	vst v63  }
0xc9: {  	s1 =	sadd.s32 s29, s7;
	s8 =	sadd.s32 $0x180, s28  }
0xca: {  	[tilespmem:s8], [sflag:$0x4] =	stream.linear.gather [hbm4b:s1+s3], $0x80, $0x38;
	[tilespmem:$0x19080] =	vst v63  }
0xcb: {  	s9 =	sadd.s32 $0x380, s28;
	s24 =	sadd.s32 $0x10, s1  }
0xcc: {  	[tilespmem:s9], [sflag:$0x4] =	stream.linear.gather [hbm4b:s24+s3], $0x80, $0x38;
	[tilespmem:$0x19080] =	vst v63  }
0xcd: {  	s31 =	sadd.s32 $0x580, s28;
	s30 =	sadd.s32 $0x20, s1  }
0xce: {  	[tilespmem:s31], [sflag:$0x4] =	stream.linear.gather [hbm4b:s30+s3], $0x80, $0x38;
	[tilespmem:$0x19080] =	vst v63  }
0xcf: {  	s9 =	sadd.s32 $0x30, s1;
	s24 =	sadd.s32 $0x780, s28  }
0xd0: {  	[tilespmem:s24], [sflag:$0x4] =	stream.linear.gather [hbm4b:s9+s3], $0x80, $0x38;
	[tilespmem:$0x19080] =	vst v63  }
0xd1: {  	s30 =	sadd.s32 $0x40, s1;
	s31 =	sadd.s32 $0x980, s28  }
0xd2: {  	[tilespmem:s31], [sflag:$0x4] =	stream.linear.gather [hbm4b:s30+s3], $0x80, $0x38;
	[tilespmem:$0x19080] =	vst v63  }
0xd3: {  	s9 =	sadd.s32 $0x50, s1;
	s24 =	sadd.s32 $0xB80, s28  }
0xd4: {  	[tilespmem:s24], [sflag:$0x4] =	stream.linear.gather [hbm4b:s9+s3], $0x80, $0x38;
	[tilespmem:$0x19080] =	vst v63  }
0xd5: {  	s30 =	sadd.s32 $0x60, s1;
	s31 =	sadd.s32 $0xD80, s28  }
0xd6: {  	[tilespmem:s31], [sflag:$0x4] =	stream.linear.gather [hbm4b:s30+s3], $0x80, $0x38;
	[tilespmem:$0x19080] =	vst v63  }
0xd7: {  	s1 =	sadd.s32 $0x70, s1;
	s24 =	sadd.s32 $0xF80, s28  }
0xd8: {  	[tilespmem:s24], [sflag:$0x4] =	stream.linear.gather [hbm4b:s1+s3], $0x80, $0x38;
	[tilespmem:$0x19080] =	vst v63  }
0xd9: {  	s8 =	simm.s32 $0x0;
	s30 =	simm.s32 $0xC180;
	s1 =	sadd.s32 $0x30000, s7  }
0xda: {  	[tilespmem:s30], [sflag:$0x4] =	stream.linear.gather [hbm4b:s1+s8], $0x80, $0x38;
	[tilespmem:$0x19080] =	vst v63  }
0xdb: {  	s24 =	simm.s32 $0xC380;
	s31 =	sadd.s32 $0x10, s1  }
0xdc: {  	[tilespmem:s24], [sflag:$0x4] =	stream.linear.gather [hbm4b:s31+s8], $0x80, $0x38;
	[tilespmem:$0x19080] =	vst v63  }
0xdd: {  	s30 =	simm.s32 $0xC580;
	s24 =	sadd.s32 $0x20, s1  }
0xde: {  	[tilespmem:s30], [sflag:$0x4] =	stream.linear.gather [hbm4b:s24+s8], $0x80, $0x38;
	[tilespmem:$0x19080] =	vst v63  }
0xdf: {  	s1 =	sadd.s32 $0x30, s1;
	s31 =	simm.s32 $0xC780  }
0xe0: {  	[tilespmem:s31], [sflag:$0x4] =	stream.linear.gather [hbm4b:s1+s8], $0x80, $0x38;
	[tilespmem:$0x19080] =	vst v63  }
0xe1: {  	_ =	swait.ge [sflag:s0], $0x3200  }
0xe2: {  	s29 =	simm.s32 $0x0;
	[sflag:s0] =	ssyncset.done $0x0  }
0xe3: {  	s28 =	simm.s32 $0x800;
	s1 =	simm.s32 $0xC800;
	[sflag:s0] =	ssyncadd.s32 $0xFFFFCE00  }
.LBB2_10:
0xe4: {  	[tilespmem:s1], [sflag:$0x5] =	stream.indirect.gather [hbm4b:s2+s11], $0x1, s29, s11, $0xb8;
	[tilespmem:$0x19080] =	vst v63  }
0xe5: {  	s1 =	smov.u32 s28;
	p0 =	sne.s32 s28, $0x31800  }
.Ltmp4:
0xe6: {  	s28 =	sadd.s32 $0x800, s28;
	(pc) =	sbr.rel @p0 .LBB2_10-.Ltmp4, $3  }
0xe7: {  	_ =	sdelay $0x1  }
0xe8: {  	s29 =	sshra.s32 s1, $0x2  }
0xe9: {  	s1 =	sadd.s32 $0xC800, s29  }
0xea: {  	[tilespmem:s1], [sflag:$0x5] =	stream.indirect.gather [hbm4b:s2+s11], $0x1, s29, s11, $0xb8;
	[tilespmem:$0x19080] =	vst v63  }
0xeb: {  	_ =	swait.ge [sflag:s13], $0x3200  }
0xec: {  	s28 =	simm.s32 $0xA00;
	[sflag:s13] =	ssyncset.done $0x0  }
0xed: {  	s29 =	simm.s32 $0x80;
	s1 =	simm.s32 $0xC880;
	[sflag:s13] =	ssyncadd.s32 $0xFFFFCE00  }
.LBB2_12:
0xee: {  	[tilespmem:s1], [sflag:$0x6] =	stream.indirect.gather [hbm4b:s2+s11], $0x1, s29, s11, $0xb8;
	[tilespmem:$0x19080] =	vst v63  }
0xef: {  	s1 =	smov.u32 s28;
	p0 =	sne.s32 s28, $0x31A00  }
.Ltmp5:
0xf0: {  	s28 =	sadd.s32 $0x800, s28;
	(pc) =	sbr.rel @p0 .LBB2_12-.Ltmp5, $3  }
0xf1: {  	_ =	sdelay $0x1  }
0xf2: {  	s29 =	sshra.s32 s1, $0x2  }
0xf3: {  	s1 =	sadd.s32 $0xC800, s29  }
0xf4: {  	[tilespmem:s1], [sflag:$0x6] =	stream.indirect.gather [hbm4b:s2+s11], $0x1, s29, s11, $0xb8;
	[tilespmem:$0x19080] =	vst v63  }
0xf5: {  	_ =	swait.ge [sflag:s15], $0x3200  }
0xf6: {  	s28 =	simm.s32 $0xC00;
	[sflag:s15] =	ssyncset.done $0x0  }
0xf7: {  	s29 =	simm.s32 $0x100;
	s1 =	simm.s32 $0xC900;
	[sflag:s15] =	ssyncadd.s32 $0xFFFFCE00  }
.LBB2_14:
0xf8: {  	[tilespmem:s1], [sflag:$0x7] =	stream.indirect.gather [hbm4b:s2+s11], $0x1, s29, s11, $0xb8;
	[tilespmem:$0x19080] =	vst v63  }
0xf9: {  	s1 =	smov.u32 s28;
	p0 =	sne.s32 s28, $0x31C00  }
.Ltmp6:
0xfa: {  	s28 =	sadd.s32 $0x800, s28;
	(pc) =	sbr.rel @p0 .LBB2_14-.Ltmp6, $3  }
0xfb: {  	_ =	sdelay $0x1  }
0xfc: {  	s29 =	sshra.s32 s1, $0x2  }
0xfd: {  	s1 =	sadd.s32 $0xC800, s29  }
0xfe: {  	[tilespmem:s1], [sflag:$0x7] =	stream.indirect.gather [hbm4b:s2+s11], $0x1, s29, s11, $0xb8;
	[tilespmem:$0x19080] =	vst v63  }
0xff: {  	_ =	swait.ge [sflag:s17], $0x3200  }
0x100: {  	[sflag:s17] =	ssyncset.done $0x0  }
0x101: {  	s1 =	simm.s32 $0x600;
	[sflag:s17] =	ssyncadd.s32 $0xFFFFCE00  }
.LBB2_16:
0x102: {  	p0 =	sne.s32 s1, $0x31E00  }
.Ltmp7:
0x103: {  	_ = 	snop;
	(pc) =	sbr.rel @p0 .LBB2_16-.Ltmp7, $4  }
0x104: {  	_ = 	snop  }
0x105: {  	s8 =	sshra.s32 s1, $0x2  }
0x106: {  	s1 =	sadd.s32 $0x800, s1;
	s9 =	sadd.s32 $0xC800, s8  }
0x107: {  	[tilespmem:s9], [sflag:$0x8] =	stream.indirect.gather [hbm4b:s2+s11], $0x1, s8, s11, $0xb8;
	[tilespmem:$0x19080] =	vst v63  }
0x108: {  	s1 =	simm.s32 $0x64  }
.LBB2_18:
0x109: {  	p0 =	sne.s32 s1, $0x1  }
.Ltmp8:
0x10a: {  	_ = 	snop;
	(pc) =	sbr.rel @p0 .LBB2_18-.Ltmp8, $4  }
0x10b: {  	_ = 	snop  }
0x10c: {  	_ =	swait.ge [sflag:s19], $0x80  }
0x10d: {  	[sflag:s19] =	ssyncset.done $0x0  }
0x10e: {  	s1 =	sadd.s32 $0xFFFFFFFF, s1;
	[sflag:s19] =	ssyncadd.s32 $0xFFFFFF80  }
0x10f: {  	s1 =	simm.s32 $0x0  }
0x110: {  	v0 =	vld [tilespmem:s1+$0xC870]  }
0x111: {  	v1 =	vld [tilespmem:s1+$0xC800]  }
0x112: {  	v2 =	vld [tilespmem:s1+$0xC810]  }
0x113: {  	v5 =	vld [tilespmem:s1+$0xC820]  }
0x114: {  	v6 =	vld [tilespmem:s1+$0xC830]  }
0x115: {  	v3 =	vimm.f32 $0.0e+00;
	v4 =	vimm.f32 $0.0e+00;
	v7 =	vld [tilespmem:s1+$0xC840]  }
0x116: {  	v10 =	vimm.f32 $0.0e+00;
	v8 =	vimm.f32 $0.0e+00;
	v11 =	vld [tilespmem:s1+$0xC850];
	v0 =	vadd.f32 v0, v3  }
0x117: {  	s28 =	simm.s32 $0x200;
	s29 =	simm.s32 $0x1000;
	v9 =	vimm.f32 $0.0e+00;
	v12 =	vld [tilespmem:s1+$0xC860];
	v1 =	vadd.f32 v1, v3;
	v2 =	vadd.f32 v2, v3  }
.LBB2_20:
0x118: {  	p0 =	sne.s32 s29, $0x31800;
	v13 =	vld [tilespmem:s28+$0xC870];
	v3 =	vadd.f32 v5, v3  }
0x119: {  	v14 =	vld [tilespmem:s28+$0xC800];
	v4 =	vadd.f32 v6, v4  }
0x11a: {  	v15 =	vld [tilespmem:s28+$0xC810];
	v10 =	vadd.f32 v7, v10  }
.Ltmp9:
0x11b: {  	v5 =	vld [tilespmem:s28+$0xC820];
	v8 =	vadd.f32 v11, v8;
	(pc) =	sbr.rel @p0 .LBB2_20-.Ltmp9, $4  }
0x11c: {  	v6 =	vld [tilespmem:s28+$0xC830];
	v9 =	vadd.f32 v12, v9  }
0x11d: {  	v7 =	vld [tilespmem:s28+$0xC840];
	v0 =	vadd.f32 v13, v0  }
0x11e: {  	v1 =	vadd.f32 v14, v1;
	v11 =	vld [tilespmem:s28+$0xC850]  }
0x11f: {  	v2 =	vadd.f32 v15, v2;
	v12 =	vld [tilespmem:s28+$0xC860];
	s28 =	sshra.s32 s29, $0x2;
	s29 =	sadd.s32 $0x800, s29  }
0x120: {  	v13 =	vld [tilespmem:s28+$0xC870]  }
0x121: {  	v14 =	vld [tilespmem:s28+$0xC800]  }
0x122: {  	v15 =	vld [tilespmem:s28+$0xC810]  }
0x123: {  	v16 =	vld [tilespmem:s28+$0xC820]  }
0x124: {  	v17 =	vld [tilespmem:s28+$0xC830]  }
0x125: {  	v18 =	vld [tilespmem:s28+$0xC840]  }
0x126: {  	v3 =	vadd.f32 v5, v3;
	v19 =	vld [tilespmem:s28+$0xC850]  }
0x127: {  	v21 =	vld [tilespmem:s28+$0xC860];
	v20 =	vadd.f32 v6, v4;
	v10 =	vadd.f32 v7, v10  }
0x128: {  	v8 =	vadd.f32 v11, v8;
	v9 =	vadd.f32 v12, v9  }
0x129: {  	v5 =	vadd.f32 v13, v0;
	v6 =	vadd.f32 v14, v1  }
0x12a: {  	v7 =	vadd.f32 v15, v2;
	v4 =	vadd.f32 v16, v3  }
0x12b: {  	v2 =	vadd.f32 v17, v20;
	v3 =	vadd.f32 v18, v10  }
0x12c: {  	s1 =	simm.s32 $0x64;
	v0 =	vadd.f32 v19, v8;
	v1 =	vadd.f32 v21, v9  }
.LBB2_22:
0x12d: {  	p0 =	sne.s32 s1, $0x1  }
.Ltmp10:
0x12e: {  	_ = 	snop;
	(pc) =	sbr.rel @p0 .LBB2_22-.Ltmp10, $4  }
0x12f: {  	_ = 	snop  }
0x130: {  	_ =	swait.ge [sflag:s21], $0x80  }
0x131: {  	[sflag:s21] =	ssyncset.done $0x0  }
0x132: {  	s1 =	sadd.s32 $0xFFFFFFFF, s1;
	[sflag:s21] =	ssyncadd.s32 $0xFFFFFF80  }
0x133: {  	s1 =	simm.s32 $0xF0  }
0x134: {  	v11 =	vld [tilespmem:s1+$0xC800]  }
0x135: {  	v12 =	vld [tilespmem:s1+$0xC790]  }
0x136: {  	v13 =	vld [tilespmem:s1+$0xC7A0]  }
0x137: {  	v10 =	vld [tilespmem:s1+$0xC7B0]  }
0x138: {  	v8 =	vld [tilespmem:s1+$0xC7C0]  }
0x139: {  	v9 =	vld [tilespmem:s1+$0xC7D0]  }
0x13a: {  	v5 =	vadd.f32 v11, v5;
	v11 =	vld [tilespmem:s1+$0xC7E0]  }
0x13b: {  	s28 =	simm.s32 $0x2F0;
	s29 =	simm.s32 $0x13C0;
	v6 =	vadd.f32 v12, v6;
	v7 =	vadd.f32 v13, v7;
	v12 =	vld [tilespmem:s1+$0xC7F0]  }
.LBB2_24:
0x13c: {  	p0 =	sne.s32 s29, $0x31BC0;
	v13 =	vld [tilespmem:s28+$0xC800];
	v4 =	vadd.f32 v10, v4  }
0x13d: {  	v14 =	vld [tilespmem:s28+$0xC790];
	v2 =	vadd.f32 v8, v2  }
0x13e: {  	v15 =	vld [tilespmem:s28+$0xC7A0];
	v3 =	vadd.f32 v9, v3  }
.Ltmp11:
0x13f: {  	v10 =	vld [tilespmem:s28+$0xC7B0];
	v0 =	vadd.f32 v11, v0;
	(pc) =	sbr.rel @p0 .LBB2_24-.Ltmp11, $4  }
0x140: {  	v8 =	vld [tilespmem:s28+$0xC7C0];
	v1 =	vadd.f32 v12, v1  }
0x141: {  	v9 =	vld [tilespmem:s28+$0xC7D0];
	v5 =	vadd.f32 v13, v5  }
0x142: {  	v6 =	vadd.f32 v14, v6;
	v11 =	vld [tilespmem:s28+$0xC7E0]  }
0x143: {  	v7 =	vadd.f32 v15, v7;
	v12 =	vld [tilespmem:s28+$0xC7F0];
	s28 =	sshra.s32 s29, $0x2;
	s29 =	sadd.s32 $0x800, s29  }
0x144: {  	v13 =	vld [tilespmem:s28+$0xC800]  }
0x145: {  	v14 =	vld [tilespmem:s28+$0xC790]  }
0x146: {  	v15 =	vld [tilespmem:s28+$0xC7A0]  }
0x147: {  	v16 =	vld [tilespmem:s28+$0xC7B0]  }
0x148: {  	v17 =	vld [tilespmem:s28+$0xC7C0]  }
0x149: {  	v18 =	vld [tilespmem:s28+$0xC7D0]  }
0x14a: {  	v4 =	vadd.f32 v10, v4;
	v63 =	vld [tilespmem:s28+$0xC7E0]  }
0x14b: {  	v2 =	vadd.f32 v8, v2;
	v8 =	vld [tilespmem:s28+$0xC7F0];
	v3 =	vadd.f32 v9, v3  }
0x14c: {  	v0 =	vadd.f32 v11, v0;
	v1 =	vadd.f32 v12, v1  }
0x14d: {  	v5 =	vadd.f32 v13, v5;
	v6 =	vadd.f32 v14, v6  }
0x14e: {  	v7 =	vadd.f32 v15, v7;
	v4 =	vadd.f32 v16, v4  }
0x14f: {  	v2 =	vadd.f32 v17, v2;
	v3 =	vadd.f32 v18, v3  }
0x150: {  	s1 =	simm.s32 $0x64;
	v0 =	vadd.f32 v63, v0;
	v1 =	vadd.f32 v8, v1  }
.LBB2_26:
0x151: {  	p0 =	sne.s32 s1, $0x1  }
.Ltmp12:
0x152: {  	_ = 	snop;
	(pc) =	sbr.rel @p0 .LBB2_26-.Ltmp12, $4  }
0x153: {  	_ = 	snop  }
0x154: {  	_ =	swait.ge [sflag:s22], $0x80  }
0x155: {  	[sflag:s22] =	ssyncset.done $0x0  }
0x156: {  	s1 =	sadd.s32 $0xFFFFFFFF, s1;
	[sflag:s22] =	ssyncadd.s32 $0xFFFFFF80  }
0x157: {  	s1 =	simm.s32 $0x170  }
0x158: {  	v11 =	vld [tilespmem:s1+$0xC800]  }
0x159: {  	v12 =	vld [tilespmem:s1+$0xC790]  }
0x15a: {  	v13 =	vld [tilespmem:s1+$0xC7A0]  }
0x15b: {  	v10 =	vld [tilespmem:s1+$0xC7B0]  }
0x15c: {  	v8 =	vld [tilespmem:s1+$0xC7C0]  }
0x15d: {  	v9 =	vld [tilespmem:s1+$0xC7D0]  }
0x15e: {  	v5 =	vadd.f32 v11, v5;
	v11 =	vld [tilespmem:s1+$0xC7E0]  }
0x15f: {  	s28 =	simm.s32 $0x370;
	s29 =	simm.s32 $0x15C0;
	v6 =	vadd.f32 v12, v6;
	v7 =	vadd.f32 v13, v7;
	v12 =	vld [tilespmem:s1+$0xC7F0]  }
.LBB2_28:
0x160: {  	p0 =	sne.s32 s29, $0x31DC0;
	v13 =	vld [tilespmem:s28+$0xC800];
	v4 =	vadd.f32 v10, v4  }
0x161: {  	v14 =	vld [tilespmem:s28+$0xC790];
	v2 =	vadd.f32 v8, v2  }
0x162: {  	v15 =	vld [tilespmem:s28+$0xC7A0];
	v3 =	vadd.f32 v9, v3  }
.Ltmp13:
0x163: {  	v10 =	vld [tilespmem:s28+$0xC7B0];
	v0 =	vadd.f32 v11, v0;
	(pc) =	sbr.rel @p0 .LBB2_28-.Ltmp13, $4  }
0x164: {  	v8 =	vld [tilespmem:s28+$0xC7C0];
	v1 =	vadd.f32 v12, v1  }
0x165: {  	v9 =	vld [tilespmem:s28+$0xC7D0];
	v5 =	vadd.f32 v13, v5  }
0x166: {  	v6 =	vadd.f32 v14, v6;
	v11 =	vld [tilespmem:s28+$0xC7E0]  }
0x167: {  	v7 =	vadd.f32 v15, v7;
	v12 =	vld [tilespmem:s28+$0xC7F0];
	s28 =	sshra.s32 s29, $0x2;
	s29 =	sadd.s32 $0x800, s29  }
0x168: {  	v13 =	vld [tilespmem:s28+$0xC800]  }
0x169: {  	v14 =	vld [tilespmem:s28+$0xC790]  }
0x16a: {  	v15 =	vld [tilespmem:s28+$0xC7A0]  }
0x16b: {  	v16 =	vld [tilespmem:s28+$0xC7B0]  }
0x16c: {  	v17 =	vld [tilespmem:s28+$0xC7C0]  }
0x16d: {  	v18 =	vld [tilespmem:s28+$0xC7D0]  }
0x16e: {  	v10 =	vadd.f32 v10, v4;
	v19 =	vld [tilespmem:s28+$0xC7E0]  }
0x16f: {  	v20 =	vld [tilespmem:s28+$0xC7F0];
	v2 =	vadd.f32 v8, v2;
	v8 =	vadd.f32 v9, v3  }
0x170: {  	v0 =	vadd.f32 v11, v0;
	v11 =	vadd.f32 v12, v1  }
0x171: {  	v4 =	vadd.f32 v13, v5;
	v9 =	vadd.f32 v14, v6  }
0x172: {  	v7 =	vadd.f32 v15, v7;
	v5 =	vadd.f32 v16, v10  }
0x173: {  	v3 =	vadd.f32 v17, v2;
	v2 =	vadd.f32 v18, v8  }
0x174: {  	s1 =	simm.s32 $0x64;
	v1 =	vadd.f32 v19, v0;
	v0 =	vadd.f32 v20, v11  }
.LBB2_30:
0x175: {  	p0 =	sne.s32 s1, $0x1  }
.Ltmp14:
0x176: {  	_ = 	snop;
	(pc) =	sbr.rel @p0 .LBB2_30-.Ltmp14, $4  }
0x177: {  	_ = 	snop  }
0x178: {  	_ =	swait.ge [sflag:s23], $0x80  }
0x179: {  	[sflag:s23] =	ssyncset.done $0x0  }
0x17a: {  	s1 =	sadd.s32 $0xFFFFFFFF, s1;
	[sflag:s23] =	ssyncadd.s32 $0xFFFFFF80  }
0x17b: {  	s1 =	simm.s32 $0x1F0  }
0x17c: {  	v6 =	vld [tilespmem:s1+$0xC800]  }
0x17d: {  	v11 =	vld [tilespmem:s1+$0xC790]  }
0x17e: {  	v13 =	vld [tilespmem:s1+$0xC7A0]  }
0x17f: {  	v12 =	vld [tilespmem:s1+$0xC7B0]  }
0x180: {  	v10 =	vld [tilespmem:s1+$0xC7C0]  }
0x181: {  	v8 =	vld [tilespmem:s1+$0xC7D0]  }
0x182: {  	v4 =	vadd.f32 v6, v4;
	v6 =	vld [tilespmem:s1+$0xC7E0]  }
0x183: {  	s28 =	simm.s32 $0x3F0;
	s29 =	simm.s32 $0x17C0;
	v9 =	vadd.f32 v11, v9;
	v11 =	vadd.f32 v13, v7;
	v7 =	vld [tilespmem:s1+$0xC7F0]  }
.LBB2_32:
0x184: {  	p0 =	sne.s32 s29, $0x31FC0;
	v13 =	vld [tilespmem:s28+$0xC800];
	v5 =	vadd.f32 v12, v5  }
0x185: {  	v14 =	vld [tilespmem:s28+$0xC790];
	v3 =	vadd.f32 v10, v3  }
0x186: {  	v15 =	vld [tilespmem:s28+$0xC7A0];
	v2 =	vadd.f32 v8, v2  }
.Ltmp15:
0x187: {  	v12 =	vld [tilespmem:s28+$0xC7B0];
	v1 =	vadd.f32 v6, v1;
	(pc) =	sbr.rel @p0 .LBB2_32-.Ltmp15, $4  }
0x188: {  	v10 =	vld [tilespmem:s28+$0xC7C0];
	v0 =	vadd.f32 v7, v0  }
0x189: {  	v8 =	vld [tilespmem:s28+$0xC7D0];
	v4 =	vadd.f32 v13, v4  }
0x18a: {  	v9 =	vadd.f32 v14, v9;
	v6 =	vld [tilespmem:s28+$0xC7E0]  }
0x18b: {  	v11 =	vadd.f32 v15, v11;
	v7 =	vld [tilespmem:s28+$0xC7F0];
	s28 =	sshra.s32 s29, $0x2;
	s29 =	sadd.s32 $0x800, s29  }
0x18c: {  	v13 =	vld [tilespmem:s28+$0xC790]  }
0x18d: {  	v14 =	vld [tilespmem:s28+$0xC7A0];
	_ =	sdelay $0x1  }
0x18e: {  	v15 =	vld [tilespmem:s28+$0xC7B0];
	_ =	sdelay $0x1  }
0x18f: {  	v5 =	vadd.f32 v12, v5;
	v58 =	vld [tilespmem:s28+$0xC7C0]  }
0x190: {  	v9 =	vadd.f32 v13, v9;
	v11 =	vadd.f32 v14, v11  }
0x191: {  	v59 =	vld [tilespmem:s28+$0xC7D0];
	v3 =	vadd.f32 v10, v3  }
0x192: {  	v5 =	vadd.f32 v15, v5;
	v9 =	vadd.f32 v11, v9  }
0x193: {  	v60 =	vld [tilespmem:s28+$0xC7E0];
	v2 =	vadd.f32 v8, v2  }
0x194: {  	v3 =	vadd.f32 v58, v3;
	v5 =	vadd.f32 v5, v9  }
0x195: {  	v61 =	vld [tilespmem:s28+$0xC7F0];
	v1 =	vadd.f32 v6, v1  }
0x196: {  	v2 =	vadd.f32 v59, v2;
	v3 =	vadd.f32 v3, v5  }
0x197: {  	v62 =	vld [tilespmem:s28+$0xC800];
	v0 =	vadd.f32 v7, v0  }
0x198: {  	v1 =	vadd.f32 v60, v1;
	v2 =	vadd.f32 v2, v3;
	_ =	sdelay $0x1  }
0x199: {  	v0 =	vadd.f32 v61, v0;
	v1 =	vadd.f32 v1, v2;
	_ =	sdelay $0x1  }
0x19a: {  	v63 =	vadd.f32 v62, v4;
	v0 =	vadd.f32 v0, v1;
	_ =	sdelay $0x1  }
0x19b: {  	v0 =	vadd.f32 v63, v0;
	_ =	sdelay $0x1  }
0x19c: {  	s1 =	rddreg [dreg:$0x4];
	s8 =	simm.s32 $0x19000;
	[tilespmem:$0x19000] =	vst v0  }
0x19d: {  	[hbm4b:s1+s3] =	stream.linear.scatter [tilespmem:s8], [sflag:$0x9], $0x80, $0x38;
	[tilespmem:$0x19080] =	vst v63  }
0x19e: {  	_ =	swait.ge [sflag:s25], $0x80  }
0x19f: {  	s26 =	sadd.s32 $0x1, s26;
	s31 =	rddreg [dreg:$0x5]  }
0x1a0: {  	p0 =	sne.s32 s26, s31  }
.Ltmp16:
0x1a1: {  	_ = 	snop;
	(pc) =	sbr.rel @p0 .LBB2_1-.Ltmp16, $3  }
0x1a2: {  	_ =	sdelay $0x1  }
0x1a3: {  	[sflag:s25] =	ssyncset.done $0x0  }
0x1a4: {  	[sflag:s25] =	ssyncadd.s32 $0xFFFFFF80  }
0x1a5: {  	_ =	sfence.sel $0x180000  }
0x1a6: {  	[bflag:$0x0] =	sbarrier.arrive $0xFFFF  }
0x1a7: {  	_ =	strace $0x90000047  }
0x1a8: {  	s0 =	stileid.u32;
	[bflag:$0x2] =	sbarrier.arrive $0xFFFF  }
0x1a9: {  	p0 =	sne.s32 s0, $0x0;
	s0 =	rddreg [dreg:$0x3]  }
0x1aa: {  	s0 =	sadd.s32 @!p0 $0x100000, s0  }
0x1ab: {  	[sflag:s0] =	ssyncadd.tile.s32 @!p0 $0x1;
	_ =	shalt  }
.Lfunc_end2:
_tile_overlayer_lowered:
.L_overlay_start_2:
0x1ac: {  	(tag) =	ssettag $0x2  }
0x1ad: {  	s0 =	rddreg [dreg:$0x0];
	s2 =	stileid.u32  }
0x1ae: {  	s1 =	rddreg [dreg:$0x1];
	p0 =	sne.s32 s2, $0x0  }
0x1af: {  	s3 =	rddreg [dreg:$0x2];
	[bflag:$0x3] =	sbarrier.arrive $0xFFFF;
	s2 =	simm.s32 @!p0 $0x1C09  }
0x1b0: {  	[timem:s3], [sflag:s2] =	dma.local @!p0 [hbm:s0], s1  }
0x1b1: {  	s0 =	simm.s32 @!p0 $0x9  }
0x1b2: {  	_ =	swait.ge @!p0 [sflag:s0], s1  }
0x1b3: {  	s1 =	ssub.s32 @!p0 $0x0, s1;
	[sflag:s0] =	ssyncset.done @!p0 $0x0  }
0x1b4: {  	[sflag:s0] =	ssyncadd.s32 @!p0 s1  }
0x1b5: {  	[bflag:$0x3] =	sbarrier.arrive $0xFFFF  }
0x1b6: {  	_ =	shalt  }

</sc_bundles>
